<compile_context>
chip_gen: v7x
topology: tpu7x:2x2x1
jax: 0.10.2.dev20260603
libtpu: 0.0.44.dev20260713+nightly
codegen_flags: <defaults>
</compile_context>

<pallas_src>
import functools

import jax
import jax.numpy as jnp
from jax import lax
from jax.experimental import pallas as pl
from jax.experimental.pallas import tpu as pltpu
from jax.experimental.pallas import tpu_sc as plsc

_NC = 2
_NS = 16
_NW = _NC * _NS
_L = 16
_UNROLL = 4

_LN2 = 0.6931471805599453
_C5 = 0.030449004538686555
_C4 = -0.13158182508879562
_C3 = 0.28527268109059173
_C2 = -0.49023072342341184
_C1 = 0.9992354838332752
_C0 = 9.975032552169407e-06


def _softlog(x):
    bits = lax.bitcast_convert_type(x, jnp.int32)
    e = (bits >> 23) - 127
    mant = lax.bitcast_convert_type((bits & 0x007FFFFF) | 0x3F800000,
                                    jnp.float32)
    t = mant - 1.0
    p = ((((_C5 * t + _C4) * t + _C3) * t + _C2) * t + _C1) * t + _C0
    return e.astype(jnp.float32) * _LN2 + p


def _sc_partials_body(yp_hbm, yt_hbm, mf_hbm, out_hbm,
                      yp_v, yt_v, mf_v, acc_v, sem):
    chunk = yp_v.shape[0]
    ngrp = chunk // (_UNROLL * _L)
    wid = lax.axis_index("s") * _NC + lax.axis_index("c")
    base = wid * chunk
    cp0 = pltpu.async_copy(yp_hbm.at[pl.ds(base, chunk)], yp_v, sem)
    cp1 = pltpu.async_copy(yt_hbm.at[pl.ds(base, chunk)], yt_v, sem)
    cp2 = pltpu.async_copy(mf_hbm.at[pl.ds(base, chunk)], mf_v, sem)
    cp0.wait()
    cp1.wait()
    cp2.wait()

    def body(g, carry):
        n, sp, st, spp, stt, spt, slt = carry
        for j in range(_UNROLL):
            off = (g * _UNROLL + j) * _L
            p = yp_v[pl.ds(off, _L)]
            t = yt_v[pl.ds(off, _L)]
            m = mf_v[pl.ds(off, _L)]
            pm = p * m
            tm = t * m
            lg = _softlog(p + 1e-8)
            n = n + m
            sp = sp + pm
            st = st + tm
            spp = spp + p * pm
            stt = stt + t * tm
            spt = spt + p * tm
            slt = slt + lg * tm
        return (n, sp, st, spp, stt, spt, slt)

    zf = jnp.zeros((_L,), jnp.float32)
    accs = lax.fori_loop(0, ngrp, body, (zf,) * 7)
    for j in range(7):
        acc_v[pl.ds(j * _L, _L)] = accs[j]
    pltpu.sync_copy(acc_v, out_hbm.at[wid])


def _sc_partials(yp, yt, mf, nelems):
    chunk = nelems // _NW
    fn = functools.partial(
        pl.kernel,
        mesh=plsc.VectorSubcoreMesh(core_axis_name="c", subcore_axis_name="s"),
        out_type=jax.ShapeDtypeStruct((_NW, 7 * _L), jnp.float32),
        scratch_types=[
            pltpu.VMEM((chunk,), jnp.float32),
            pltpu.VMEM((chunk,), jnp.float32),
            pltpu.VMEM((chunk,), jnp.float32),
            pltpu.VMEM((7 * _L,), jnp.float32),
            pltpu.SemaphoreType.DMA,
        ],
    )(_sc_partials_body)
    return fn(yp, yt, mf)


def _tc_partials_body(yp_ref, yt_ref, mk_ref, out_ref):
    p = yp_ref[...]
    t = yt_ref[...]
    m = mk_ref[...].astype(jnp.float32)
    pm = p * m
    tm = t * m
    out_ref[0, 0] = jnp.sum(m)
    out_ref[0, 1] = jnp.sum(pm)
    out_ref[0, 2] = jnp.sum(tm)
    out_ref[0, 3] = jnp.sum(p * pm)
    out_ref[0, 4] = jnp.sum(t * tm)
    out_ref[0, 5] = jnp.sum(p * tm)
    out_ref[0, 6] = jnp.sum(jnp.log(p + 1e-8) * tm)
    out_ref[0, 7] = 0.0


def _tc_partials(y_pred, y_true, mask):
    half = y_pred.shape[0] // 2
    spec = pl.BlockSpec((half, y_pred.shape[1]), lambda i: (1, 0))
    return pl.pallas_call(
        _tc_partials_body,
        grid=(1,),
        out_shape=jax.ShapeDtypeStruct((1, 8), jnp.float32),
        in_specs=[spec, spec, spec],
        out_specs=pl.BlockSpec((1, 8), lambda i: (0, 0),
                               memory_space=pltpu.SMEM),
    )(y_pred, y_true, mask)


def _tc_finalize_body(ts_ref, parts_ref, tcp_ref, out_ref):
    parts = parts_ref[...]
    s = [jnp.sum(parts[:, j * _L:(j + 1) * _L]) + tcp_ref[0, j]
         for j in range(7)]
    n, sp, st, spp, stt, spt, slt = s
    pois = sp - slt
    eps = 1e-6
    mx = sp / n
    my = st / n
    num = spt - n * mx * my
    nx = jnp.sqrt(jnp.maximum(spp - n * mx * mx, 0.0))
    ny = jnp.sqrt(jnp.maximum(stt - n * my * my, 0.0))
    cos = num / (jnp.maximum(nx, eps) * jnp.maximum(ny, eps))
    w = jnp.maximum(0.0, 1.0 - ts_ref[0, 0] / 10.0)
    out_ref[...] = jnp.full((1, 1), (1.0 - cos) + w * (pois / n), jnp.float32)


def _tc_finalize(ts, sc_parts, tc_parts):
    return pl.pallas_call(
        _tc_finalize_body,
        out_shape=jax.ShapeDtypeStruct((1, 1), jnp.float32),
        in_specs=[
            pl.BlockSpec(memory_space=pltpu.SMEM),
            pl.BlockSpec(memory_space=pltpu.VMEM),
            pl.BlockSpec(memory_space=pltpu.SMEM),
        ],
        out_specs=pl.BlockSpec(memory_space=pltpu.VMEM),
    )(ts, sc_parts, tc_parts)


def kernel(y_pred, y_true, mask, timestamp):
    yp = y_pred.reshape(-1)
    yt = y_true.reshape(-1)
    mf = mask.reshape(-1).astype(jnp.float32)
    sc_parts = _sc_partials(yp, yt, mf, y_pred.size // 2)
    tc_parts = _tc_partials(y_pred, y_true, mask)
    ts = jnp.asarray(timestamp, jnp.float32).reshape(1, 1)
    return _tc_finalize(ts, sc_parts, tc_parts).reshape(())

# --- scband reference (transcript-rebuilt; emitter-appended) ---
"""Pipeline reference for scband-masked-combined-pearson-loss-67516885893181 (READ-ONLY COPY).

The authoritative reference and input builder live on the scoring server;
editing this copy changes nothing except your own understanding.
"""

import jax, jax.numpy as jnp
import numpy as np

COMB_MAX_DURATION = 10

def setup_inputs(seed: int = 0) -> dict:
    key = jax.random.key(seed)
    k1, k2, k3 = jax.random.split(key, 3)
    y_pred = jax.random.uniform(k1, (16, 4096), dtype=jnp.float32)
    y_true = jax.random.uniform(k2, (16, 4096), dtype=jnp.float32)
    mask = jax.random.randint(k3, (16, 4096), 0, 2).astype(jnp.bool_)
    timestamp = 3
    return {"y_pred": y_pred, "y_true": y_true, "mask": mask, "timestamp": timestamp}

def reference(y_pred, y_true, mask, timestamp):
    eps = 1e-06
    maskf = mask.astype(jnp.float32)
    n = jnp.sum(maskf)
    # MaskedPoissonLoss: poisson_nll_loss(log_input=False, reduction='mean') over masked elems
    eps_p = 1e-08
    poisson = jnp.sum((y_pred - y_true * jnp.log(y_pred + eps_p)) * maskf) / n
    # MaskedPearsonLoss: 1 - cosine(centered masked pred, centered masked true)
    mx = jnp.sum(y_pred * maskf) / n
    my = jnp.sum(y_true * maskf) / n
    xm = (y_pred - mx) * maskf
    ym = (y_true - my) * maskf
    num = jnp.sum(xm * ym)
    nx = jnp.sqrt(jnp.sum(xm * xm))
    ny = jnp.sqrt(jnp.sum(ym * ym))
    cos = num / (jnp.maximum(nx, eps) * jnp.maximum(ny, eps))
    pearson = 1.0 - cos
    w = jnp.maximum(0.0, 1.0 - jnp.asarray(timestamp).astype(jnp.float32) / COMB_MAX_DURATION)
    return pearson + w * poisson

if __name__ == "__main__":
    import jax
    _d = setup_inputs()
    print(jax.jit(kernel)(*tuple(_d.values())))

</pallas_src>

<mosaic_0001>
#map = affine_map<(d0, d1) -> (0)>
#map1 = affine_map<(d0, d1) -> (0, 0)>
module attributes {stable_mosaic.version = 14 : i64} {
  func.func @_sc_partials_body(%arg0: i32, %arg1: i32, %arg2: memref<65536xf32, #tpu.memory_space<hbm>>, %arg3: memref<65536xf32, #tpu.memory_space<hbm>>, %arg4: memref<65536xf32, #tpu.memory_space<hbm>>, %arg5: memref<32x112xf32, #tpu.memory_space<hbm>>, %arg6: memref<1024xf32, #tpu.memory_space<vmem>>, %arg7: memref<1024xf32, #tpu.memory_space<vmem>>, %arg8: memref<1024xf32, #tpu.memory_space<vmem>>, %arg9: memref<112xf32, #tpu.memory_space<vmem>>, %arg10: memref<!tpu.dma_semaphore, #tpu.memory_space<semaphore_mem>>) attributes {dimension_semantics = [#tpu.dimension_semantics<core_parallel>, #tpu.dimension_semantics<subcore_parallel>], iteration_bounds = array<i64: 2, 16>, scalar_prefetch = 0 : i64, scratch_operands = 5 : i64, tpu.core_type = #tpu.core_type<sc_vector_subcore>, window_params = [{transform_indices = #map}, {transform_indices = #map}, {transform_indices = #map}, {transform_indices = #map1}]} {
    %mul3A = arith.constant 2 : i32
    %mul3A_0 = arith.muli %arg1, %mul3A : i32
    %add3A = arith.addi %mul3A_0, %arg0 : i32
    %mul3A_1 = arith.constant 1024 : i32
    %mul3A_2 = arith.muli %add3A, %mul3A_1 : i32
    %dma_start3A = tpu.memref_slice %arg2[%mul3A_2] : memref<65536xf32, #tpu.memory_space<hbm>> -> memref<1024xf32, #tpu.memory_space<hbm>>
    %dma_start3A_3 = tpu.memref_slice %arg2[%mul3A_2] : memref<65536xf32, #tpu.memory_space<hbm>> -> memref<1024xf32, #tpu.memory_space<hbm>>
    tpu.enqueue_dma source(%dma_start3A_3 : memref<1024xf32, #tpu.memory_space<hbm>>) target(%arg6 : memref<1024xf32, #tpu.memory_space<vmem>>) target_semaphore(%arg10 : memref<!tpu.dma_semaphore, #tpu.memory_space<semaphore_mem>>)
    %dma_start3A_4 = tpu.memref_slice %arg3[%mul3A_2] : memref<65536xf32, #tpu.memory_space<hbm>> -> memref<1024xf32, #tpu.memory_space<hbm>>
    %dma_start3A_5 = tpu.memref_slice %arg3[%mul3A_2] : memref<65536xf32, #tpu.memory_space<hbm>> -> memref<1024xf32, #tpu.memory_space<hbm>>
    tpu.enqueue_dma source(%dma_start3A_5 : memref<1024xf32, #tpu.memory_space<hbm>>) target(%arg7 : memref<1024xf32, #tpu.memory_space<vmem>>) target_semaphore(%arg10 : memref<!tpu.dma_semaphore, #tpu.memory_space<semaphore_mem>>)
    %dma_start3A_6 = tpu.memref_slice %arg4[%mul3A_2] : memref<65536xf32, #tpu.memory_space<hbm>> -> memref<1024xf32, #tpu.memory_space<hbm>>
    %dma_start3A_7 = tpu.memref_slice %arg4[%mul3A_2] : memref<65536xf32, #tpu.memory_space<hbm>> -> memref<1024xf32, #tpu.memory_space<hbm>>
    tpu.enqueue_dma source(%dma_start3A_7 : memref<1024xf32, #tpu.memory_space<hbm>>) target(%arg8 : memref<1024xf32, #tpu.memory_space<vmem>>) target_semaphore(%arg10 : memref<!tpu.dma_semaphore, #tpu.memory_space<semaphore_mem>>)
    %dma_wait3A = tpu.memref_slice %arg2[%mul3A_2] : memref<65536xf32, #tpu.memory_space<hbm>> -> memref<1024xf32, #tpu.memory_space<hbm>>
    %dma_wait3A_8 = tpu.memref_slice %arg2[%mul3A_2] : memref<65536xf32, #tpu.memory_space<hbm>> -> memref<1024xf32, #tpu.memory_space<hbm>>
    tpu.wait_dma2 semaphore(%arg10 : memref<!tpu.dma_semaphore, #tpu.memory_space<semaphore_mem>>) src(%dma_wait3A_8 : memref<1024xf32, #tpu.memory_space<hbm>>) dst(%arg6 : memref<1024xf32, #tpu.memory_space<vmem>>)
    %dma_wait3A_9 = tpu.memref_slice %arg3[%mul3A_2] : memref<65536xf32, #tpu.memory_space<hbm>> -> memref<1024xf32, #tpu.memory_space<hbm>>
    %dma_wait3A_10 = tpu.memref_slice %arg3[%mul3A_2] : memref<65536xf32, #tpu.memory_space<hbm>> -> memref<1024xf32, #tpu.memory_space<hbm>>
    tpu.wait_dma2 semaphore(%arg10 : memref<!tpu.dma_semaphore, #tpu.memory_space<semaphore_mem>>) src(%dma_wait3A_10 : memref<1024xf32, #tpu.memory_space<hbm>>) dst(%arg7 : memref<1024xf32, #tpu.memory_space<vmem>>)
    %dma_wait3A_11 = tpu.memref_slice %arg4[%mul3A_2] : memref<65536xf32, #tpu.memory_space<hbm>> -> memref<1024xf32, #tpu.memory_space<hbm>>
    %dma_wait3A_12 = tpu.memref_slice %arg4[%mul3A_2] : memref<65536xf32, #tpu.memory_space<hbm>> -> memref<1024xf32, #tpu.memory_space<hbm>>
    tpu.wait_dma2 semaphore(%arg10 : memref<!tpu.dma_semaphore, #tpu.memory_space<semaphore_mem>>) src(%dma_wait3A_12 : memref<1024xf32, #tpu.memory_space<hbm>>) dst(%arg8 : memref<1024xf32, #tpu.memory_space<vmem>>)
    %broadcast_in_dim3A = arith.constant 0.000000e+00 : f32
    %broadcast_in_dim3A_13 = vector.broadcast %broadcast_in_dim3A : f32 to vector<16xf32>
    %scan3A = arith.constant 0 : i32
    %scan3A_14 = arith.constant 16 : i32
    %scan3A_15 = arith.addi %scan3A, %scan3A_14 : i32
    %scan3A_16 = arith.constant 1 : i32
    %scan3A_17:7 = scf.for %scan3A_46 = %scan3A to %scan3A_15 step %scan3A_16 iter_args(%scan3A_47 = %broadcast_in_dim3A_13, %scan3A_48 = %broadcast_in_dim3A_13, %scan3A_49 = %broadcast_in_dim3A_13, %scan3A_50 = %broadcast_in_dim3A_13, %scan3A_51 = %broadcast_in_dim3A_13, %scan3A_52 = %broadcast_in_dim3A_13, %scan3A_53 = %broadcast_in_dim3A_13) -> (vector<16xf32>, vector<16xf32>, vector<16xf32>, vector<16xf32>, vector<16xf32>, vector<16xf32>, vector<16xf32>)  : i32 {
      %mul3A_54 = arith.constant 4 : i32
      %mul3A_55 = arith.muli %scan3A_46, %mul3A_54 : i32
      %add3A_56 = arith.constant 0 : i32
      %add3A_57 = arith.addi %mul3A_55, %add3A_56 : i32
      %mul3A_58 = arith.constant 16 : i32
      %mul3A_59 = arith.muli %add3A_57, %mul3A_58 : i32
      %get3A = arith.index_cast %mul3A_59 : i32 to index
      %get3A_60 = tpu.vector_load %arg6[%get3A] {strides = array<i32>} : memref<1024xf32, #tpu.memory_space<vmem>>, vector<16xf32>,
      %get3A_61 = vector.shape_cast %get3A_60 : vector<16xf32> to vector<16xf32>
      %get3A_62 = arith.index_cast %mul3A_59 : i32 to index
      %get3A_63 = tpu.vector_load %arg7[%get3A_62] {strides = array<i32>} : memref<1024xf32, #tpu.memory_space<vmem>>, vector<16xf32>,
      %get3A_64 = vector.shape_cast %get3A_63 : vector<16xf32> to vector<16xf32>
      %get3A_65 = arith.index_cast %mul3A_59 : i32 to index
      %get3A_66 = tpu.vector_load %arg8[%get3A_65] {strides = array<i32>} : memref<1024xf32, #tpu.memory_space<vmem>>, vector<16xf32>,
      %get3A_67 = vector.shape_cast %get3A_66 : vector<16xf32> to vector<16xf32>
      %mul3A_68 = arith.mulf %get3A_61, %get3A_67 : vector<16xf32>
      %mul3A_69 = arith.mulf %get3A_64, %get3A_67 : vector<16xf32>
      %add3A_70 = arith.constant 9.99999993E-9 : f32
      %add3A_71 = vector.broadcast %add3A_70 : f32 to vector<16xf32>
      %add3A_72 = arith.addf %get3A_61, %add3A_71 : vector<16xf32>
      %bitcast_convert_type3A = tpu.bitcast %add3A_72 : vector<16xf32> -> vector<16xi32>
      %shift_right_arithmetic3A = arith.constant 23 : i32
      %shift_right_arithmetic3A_73 = vector.broadcast %shift_right_arithmetic3A : i32 to vector<16xi32>
      %shift_right_arithmetic3A_74 = arith.shrsi %bitcast_convert_type3A, %shift_right_arithmetic3A_73 : vector<16xi32>
      %sub3A = arith.constant 127 : i32
      %sub3A_75 = vector.broadcast %sub3A : i32 to vector<16xi32>
      %sub3A_76 = arith.subi %shift_right_arithmetic3A_74, %sub3A_75 : vector<16xi32>
      %and3A = arith.constant 8388607 : i32
      %and3A_77 = vector.broadcast %and3A : i32 to vector<16xi32>
      %and3A_78 = arith.andi %bitcast_convert_type3A, %and3A_77 : vector<16xi32>
      %or3A = arith.constant 1065353216 : i32
      %or3A_79 = vector.broadcast %or3A : i32 to vector<16xi32>
      %or3A_80 = arith.ori %and3A_78, %or3A_79 : vector<16xi32>
      %bitcast_convert_type3A_81 = tpu.bitcast %or3A_80 : vector<16xi32> -> vector<16xf32>
      %sub3A_82 = arith.constant 1.000000e+00 : f32
      %sub3A_83 = vector.broadcast %sub3A_82 : f32 to vector<16xf32>
      %sub3A_84 = arith.subf %bitcast_convert_type3A_81, %sub3A_83 : vector<16xf32>
      %mul3A_85 = arith.constant 0.0304490048 : f32
      %mul3A_86 = vector.broadcast %mul3A_85 : f32 to vector<16xf32>
      %mul3A_87 = arith.mulf %mul3A_86, %sub3A_84 : vector<16xf32>
      %add3A_88 = arith.constant -0.131581828 : f32
      %add3A_89 = vector.broadcast %add3A_88 : f32 to vector<16xf32>
      %add3A_90 = arith.addf %mul3A_87, %add3A_89 : vector<16xf32>
      %mul3A_91 = arith.mulf %add3A_90, %sub3A_84 : vector<16xf32>
      %add3A_92 = arith.constant 0.285272688 : f32
      %add3A_93 = vector.broadcast %add3A_92 : f32 to vector<16xf32>
      %add3A_94 = arith.addf %mul3A_91, %add3A_93 : vector<16xf32>
      %mul3A_95 = arith.mulf %add3A_94, %sub3A_84 : vector<16xf32>
      %add3A_96 = arith.constant -0.490230709 : f32
      %add3A_97 = vector.broadcast %add3A_96 : f32 to vector<16xf32>
      %add3A_98 = arith.addf %mul3A_95, %add3A_97 : vector<16xf32>
      %mul3A_99 = arith.mulf %add3A_98, %sub3A_84 : vector<16xf32>
      %add3A_100 = arith.constant 0.99923551 : f32
      %add3A_101 = vector.broadcast %add3A_100 : f32 to vector<16xf32>
      %add3A_102 = arith.addf %mul3A_99, %add3A_101 : vector<16xf32>
      %mul3A_103 = arith.mulf %add3A_102, %sub3A_84 : vector<16xf32>
      %add3A_104 = arith.constant 9.9750323E-6 : f32
      %add3A_105 = vector.broadcast %add3A_104 : f32 to vector<16xf32>
      %add3A_106 = arith.addf %mul3A_103, %add3A_105 : vector<16xf32>
      %convert_element_type3A = arith.sitofp %sub3A_76 : vector<16xi32> to vector<16xf32>
      %mul3A_107 = arith.constant 0.693147182 : f32
      %mul3A_108 = vector.broadcast %mul3A_107 : f32 to vector<16xf32>
      %mul3A_109 = arith.mulf %convert_element_type3A, %mul3A_108 : vector<16xf32>
      %add3A_110 = arith.addf %mul3A_109, %add3A_106 : vector<16xf32>
      %add3A_111 = arith.addf %scan3A_47, %get3A_67 : vector<16xf32>
      %add3A_112 = arith.addf %scan3A_48, %mul3A_68 : vector<16xf32>
      %add3A_113 = arith.addf %scan3A_49, %mul3A_69 : vector<16xf32>
      %mul3A_114 = arith.mulf %get3A_61, %mul3A_68 : vector<16xf32>
      %add3A_115 = arith.addf %scan3A_50, %mul3A_114 : vector<16xf32>
      %mul3A_116 = arith.mulf %get3A_64, %mul3A_69 : vector<16xf32>
      %add3A_117 = arith.addf %scan3A_51, %mul3A_116 : vector<16xf32>
      %mul3A_118 = arith.mulf %get3A_61, %mul3A_69 : vector<16xf32>
      %add3A_119 = arith.addf %scan3A_52, %mul3A_118 : vector<16xf32>
      %mul3A_120 = arith.mulf %add3A_110, %mul3A_69 : vector<16xf32>
      %add3A_121 = arith.addf %scan3A_53, %mul3A_120 : vector<16xf32>
      %mul3A_122 = arith.constant 4 : i32
      %mul3A_123 = arith.muli %scan3A_46, %mul3A_122 : i32
      %add3A_124 = arith.constant 1 : i32
      %add3A_125 = arith.addi %mul3A_123, %add3A_124 : i32
      %mul3A_126 = arith.constant 16 : i32
      %mul3A_127 = arith.muli %add3A_125, %mul3A_126 : i32
      %get3A_128 = arith.index_cast %mul3A_127 : i32 to index
      %get3A_129 = tpu.vector_load %arg6[%get3A_128] {strides = array<i32>} : memref<1024xf32, #tpu.memory_space<vmem>>, vector<16xf32>,
      %get3A_130 = vector.shape_cast %get3A_129 : vector<16xf32> to vector<16xf32>
      %get3A_131 = arith.index_cast %mul3A_127 : i32 to index
      %get3A_132 = tpu.vector_load %arg7[%get3A_131] {strides = array<i32>} : memref<1024xf32, #tpu.memory_space<vmem>>, vector<16xf32>,
      %get3A_133 = vector.shape_cast %get3A_132 : vector<16xf32> to vector<16xf32>
      %get3A_134 = arith.index_cast %mul3A_127 : i32 to index
      %get3A_135 = tpu.vector_load %arg8[%get3A_134] {strides = array<i32>} : memref<1024xf32, #tpu.memory_space<vmem>>, vector<16xf32>,
      %get3A_136 = vector.shape_cast %get3A_135 : vector<16xf32> to vector<16xf32>
      %mul3A_137 = arith.mulf %get3A_130, %get3A_136 : vector<16xf32>
      %mul3A_138 = arith.mulf %get3A_133, %get3A_136 : vector<16xf32>
      %add3A_139 = arith.constant 9.99999993E-9 : f32
      %add3A_140 = vector.broadcast %add3A_139 : f32 to vector<16xf32>
      %add3A_141 = arith.addf %get3A_130, %add3A_140 : vector<16xf32>
      %bitcast_convert_type3A_142 = tpu.bitcast %add3A_141 : vector<16xf32> -> vector<16xi32>
      %shift_right_arithmetic3A_143 = arith.constant 23 : i32
      %shift_right_arithmetic3A_144 = vector.broadcast %shift_right_arithmetic3A_143 : i32 to vector<16xi32>
      %shift_right_arithmetic3A_145 = arith.shrsi %bitcast_convert_type3A_142, %shift_right_arithmetic3A_144 : vector<16xi32>
      %sub3A_146 = arith.constant 127 : i32
      %sub3A_147 = vector.broadcast %sub3A_146 : i32 to vector<16xi32>
      %sub3A_148 = arith.subi %shift_right_arithmetic3A_145, %sub3A_147 : vector<16xi32>
      %and3A_149 = arith.constant 8388607 : i32
      %and3A_150 = vector.broadcast %and3A_149 : i32 to vector<16xi32>
      %and3A_151 = arith.andi %bitcast_convert_type3A_142, %and3A_150 : vector<16xi32>
      %or3A_152 = arith.constant 1065353216 : i32
      %or3A_153 = vector.broadcast %or3A_152 : i32 to vector<16xi32>
      %or3A_154 = arith.ori %and3A_151, %or3A_153 : vector<16xi32>
      %bitcast_convert_type3A_155 = tpu.bitcast %or3A_154 : vector<16xi32> -> vector<16xf32>
      %sub3A_156 = arith.constant 1.000000e+00 : f32
      %sub3A_157 = vector.broadcast %sub3A_156 : f32 to vector<16xf32>
      %sub3A_158 = arith.subf %bitcast_convert_type3A_155, %sub3A_157 : vector<16xf32>
      %mul3A_159 = arith.constant 0.0304490048 : f32
      %mul3A_160 = vector.broadcast %mul3A_159 : f32 to vector<16xf32>
      %mul3A_161 = arith.mulf %mul3A_160, %sub3A_158 : vector<16xf32>
      %add3A_162 = arith.constant -0.131581828 : f32
      %add3A_163 = vector.broadcast %add3A_162 : f32 to vector<16xf32>
      %add3A_164 = arith.addf %mul3A_161, %add3A_163 : vector<16xf32>
      %mul3A_165 = arith.mulf %add3A_164, %sub3A_158 : vector<16xf32>
      %add3A_166 = arith.constant 0.285272688 : f32
      %add3A_167 = vector.broadcast %add3A_166 : f32 to vector<16xf32>
      %add3A_168 = arith.addf %mul3A_165, %add3A_167 : vector<16xf32>
      %mul3A_169 = arith.mulf %add3A_168, %sub3A_158 : vector<16xf32>
      %add3A_170 = arith.constant -0.490230709 : f32
      %add3A_171 = vector.broadcast %add3A_170 : f32 to vector<16xf32>
      %add3A_172 = arith.addf %mul3A_169, %add3A_171 : vector<16xf32>
      %mul3A_173 = arith.mulf %add3A_172, %sub3A_158 : vector<16xf32>
      %add3A_174 = arith.constant 0.99923551 : f32
      %add3A_175 = vector.broadcast %add3A_174 : f32 to vector<16xf32>
      %add3A_176 = arith.addf %mul3A_173, %add3A_175 : vector<16xf32>
      %mul3A_177 = arith.mulf %add3A_176, %sub3A_158 : vector<16xf32>
      %add3A_178 = arith.constant 9.9750323E-6 : f32
      %add3A_179 = vector.broadcast %add3A_178 : f32 to vector<16xf32>
      %add3A_180 = arith.addf %mul3A_177, %add3A_179 : vector<16xf32>
      %convert_element_type3A_181 = arith.sitofp %sub3A_148 : vector<16xi32> to vector<16xf32>
      %mul3A_182 = arith.constant 0.693147182 : f32
      %mul3A_183 = vector.broadcast %mul3A_182 : f32 to vector<16xf32>
      %mul3A_184 = arith.mulf %convert_element_type3A_181, %mul3A_183 : vector<16xf32>
      %add3A_185 = arith.addf %mul3A_184, %add3A_180 : vector<16xf32>
      %add3A_186 = arith.addf %add3A_111, %get3A_136 : vector<16xf32>
      %add3A_187 = arith.addf %add3A_112, %mul3A_137 : vector<16xf32>
      %add3A_188 = arith.addf %add3A_113, %mul3A_138 : vector<16xf32>
      %mul3A_189 = arith.mulf %get3A_130, %mul3A_137 : vector<16xf32>
      %add3A_190 = arith.addf %add3A_115, %mul3A_189 : vector<16xf32>
      %mul3A_191 = arith.mulf %get3A_133, %mul3A_138 : vector<16xf32>
      %add3A_192 = arith.addf %add3A_117, %mul3A_191 : vector<16xf32>
      %mul3A_193 = arith.mulf %get3A_130, %mul3A_138 : vector<16xf32>
      %add3A_194 = arith.addf %add3A_119, %mul3A_193 : vector<16xf32>
      %mul3A_195 = arith.mulf %add3A_185, %mul3A_138 : vector<16xf32>
      %add3A_196 = arith.addf %add3A_121, %mul3A_195 : vector<16xf32>
      %mul3A_197 = arith.constant 4 : i32
      %mul3A_198 = arith.muli %scan3A_46, %mul3A_197 : i32
      %add3A_199 = arith.constant 2 : i32
      %add3A_200 = arith.addi %mul3A_198, %add3A_199 : i32
      %mul3A_201 = arith.constant 16 : i32
      %mul3A_202 = arith.muli %add3A_200, %mul3A_201 : i32
      %get3A_203 = arith.index_cast %mul3A_202 : i32 to index
      %get3A_204 = tpu.vector_load %arg6[%get3A_203] {strides = array<i32>} : memref<1024xf32, #tpu.memory_space<vmem>>, vector<16xf32>,
      %get3A_205 = vector.shape_cast %get3A_204 : vector<16xf32> to vector<16xf32>
      %get3A_206 = arith.index_cast %mul3A_202 : i32 to index
      %get3A_207 = tpu.vector_load %arg7[%get3A_206] {strides = array<i32>} : memref<1024xf32, #tpu.memory_space<vmem>>, vector<16xf32>,
      %get3A_208 = vector.shape_cast %get3A_207 : vector<16xf32> to vector<16xf32>
      %get3A_209 = arith.index_cast %mul3A_202 : i32 to index
      %get3A_210 = tpu.vector_load %arg8[%get3A_209] {strides = array<i32>} : memref<1024xf32, #tpu.memory_space<vmem>>, vector<16xf32>,
      %get3A_211 = vector.shape_cast %get3A_210 : vector<16xf32> to vector<16xf32>
      %mul3A_212 = arith.mulf %get3A_205, %get3A_211 : vector<16xf32>
      %mul3A_213 = arith.mulf %get3A_208, %get3A_211 : vector<16xf32>
      %add3A_214 = arith.constant 9.99999993E-9 : f32
      %add3A_215 = vector.broadcast %add3A_214 : f32 to vector<16xf32>
      %add3A_216 = arith.addf %get3A_205, %add3A_215 : vector<16xf32>
      %bitcast_convert_type3A_217 = tpu.bitcast %add3A_216 : vector<16xf32> -> vector<16xi32>
      %shift_right_arithmetic3A_218 = arith.constant 23 : i32
      %shift_right_arithmetic3A_219 = vector.broadcast %shift_right_arithmetic3A_218 : i32 to vector<16xi32>
      %shift_right_arithmetic3A_220 = arith.shrsi %bitcast_convert_type3A_217, %shift_right_arithmetic3A_219 : vector<16xi32>
      %sub3A_221 = arith.constant 127 : i32
      %sub3A_222 = vector.broadcast %sub3A_221 : i32 to vector<16xi32>
      %sub3A_223 = arith.subi %shift_right_arithmetic3A_220, %sub3A_222 : vector<16xi32>
      %and3A_224 = arith.constant 8388607 : i32
      %and3A_225 = vector.broadcast %and3A_224 : i32 to vector<16xi32>
      %and3A_226 = arith.andi %bitcast_convert_type3A_217, %and3A_225 : vector<16xi32>
      %or3A_227 = arith.constant 1065353216 : i32
      %or3A_228 = vector.broadcast %or3A_227 : i32 to vector<16xi32>
      %or3A_229 = arith.ori %and3A_226, %or3A_228 : vector<16xi32>
      %bitcast_convert_type3A_230 = tpu.bitcast %or3A_229 : vector<16xi32> -> vector<16xf32>
      %sub3A_231 = arith.constant 1.000000e+00 : f32
      %sub3A_232 = vector.broadcast %sub3A_231 : f32 to vector<16xf32>
      %sub3A_233 = arith.subf %bitcast_convert_type3A_230, %sub3A_232 : vector<16xf32>
      %mul3A_234 = arith.constant 0.0304490048 : f32
      %mul3A_235 = vector.broadcast %mul3A_234 : f32 to vector<16xf32>
      %mul3A_236 = arith.mulf %mul3A_235, %sub3A_233 : vector<16xf32>
      %add3A_237 = arith.constant -0.131581828 : f32
      %add3A_238 = vector.broadcast %add3A_237 : f32 to vector<16xf32>
      %add3A_239 = arith.addf %mul3A_236, %add3A_238 : vector<16xf32>
      %mul3A_240 = arith.mulf %add3A_239, %sub3A_233 : vector<16xf32>
      %add3A_241 = arith.constant 0.285272688 : f32
      %add3A_242 = vector.broadcast %add3A_241 : f32 to vector<16xf32>
      %add3A_243 = arith.addf %mul3A_240, %add3A_242 : vector<16xf32>
      %mul3A_244 = arith.mulf %add3A_243, %sub3A_233 : vector<16xf32>
      %add3A_245 = arith.constant -0.490230709 : f32
      %add3A_246 = vector.broadcast %add3A_245 : f32 to vector<16xf32>
      %add3A_247 = arith.addf %mul3A_244, %add3A_246 : vector<16xf32>
      %mul3A_248 = arith.mulf %add3A_247, %sub3A_233 : vector<16xf32>
      %add3A_249 = arith.constant 0.99923551 : f32
      %add3A_250 = vector.broadcast %add3A_249 : f32 to vector<16xf32>
      %add3A_251 = arith.addf %mul3A_248, %add3A_250 : vector<16xf32>
      %mul3A_252 = arith.mulf %add3A_251, %sub3A_233 : vector<16xf32>
      %add3A_253 = arith.constant 9.9750323E-6 : f32
      %add3A_254 = vector.broadcast %add3A_253 : f32 to vector<16xf32>
      %add3A_255 = arith.addf %mul3A_252, %add3A_254 : vector<16xf32>
      %convert_element_type3A_256 = arith.sitofp %sub3A_223 : vector<16xi32> to vector<16xf32>
      %mul3A_257 = arith.constant 0.693147182 : f32
      %mul3A_258 = vector.broadcast %mul3A_257 : f32 to vector<16xf32>
      %mul3A_259 = arith.mulf %convert_element_type3A_256, %mul3A_258 : vector<16xf32>
      %add3A_260 = arith.addf %mul3A_259, %add3A_255 : vector<16xf32>
      %add3A_261 = arith.addf %add3A_186, %get3A_211 : vector<16xf32>
      %add3A_262 = arith.addf %add3A_187, %mul3A_212 : vector<16xf32>
      %add3A_263 = arith.addf %add3A_188, %mul3A_213 : vector<16xf32>
      %mul3A_264 = arith.mulf %get3A_205, %mul3A_212 : vector<16xf32>
      %add3A_265 = arith.addf %add3A_190, %mul3A_264 : vector<16xf32>
      %mul3A_266 = arith.mulf %get3A_208, %mul3A_213 : vector<16xf32>
      %add3A_267 = arith.addf %add3A_192, %mul3A_266 : vector<16xf32>
      %mul3A_268 = arith.mulf %get3A_205, %mul3A_213 : vector<16xf32>
      %add3A_269 = arith.addf %add3A_194, %mul3A_268 : vector<16xf32>
      %mul3A_270 = arith.mulf %add3A_260, %mul3A_213 : vector<16xf32>
      %add3A_271 = arith.addf %add3A_196, %mul3A_270 : vector<16xf32>
      %mul3A_272 = arith.constant 4 : i32
      %mul3A_273 = arith.muli %scan3A_46, %mul3A_272 : i32
      %add3A_274 = arith.constant 3 : i32
      %add3A_275 = arith.addi %mul3A_273, %add3A_274 : i32
      %mul3A_276 = arith.constant 16 : i32
      %mul3A_277 = arith.muli %add3A_275, %mul3A_276 : i32
      %get3A_278 = arith.index_cast %mul3A_277 : i32 to index
      %get3A_279 = tpu.vector_load %arg6[%get3A_278] {strides = array<i32>} : memref<1024xf32, #tpu.memory_space<vmem>>, vector<16xf32>,
      %get3A_280 = vector.shape_cast %get3A_279 : vector<16xf32> to vector<16xf32>
      %get3A_281 = arith.index_cast %mul3A_277 : i32 to index
      %get3A_282 = tpu.vector_load %arg7[%get3A_281] {strides = array<i32>} : memref<1024xf32, #tpu.memory_space<vmem>>, vector<16xf32>,
      %get3A_283 = vector.shape_cast %get3A_282 : vector<16xf32> to vector<16xf32>
      %get3A_284 = arith.index_cast %mul3A_277 : i32 to index
      %get3A_285 = tpu.vector_load %arg8[%get3A_284] {strides = array<i32>} : memref<1024xf32, #tpu.memory_space<vmem>>, vector<16xf32>,
      %get3A_286 = vector.shape_cast %get3A_285 : vector<16xf32> to vector<16xf32>
      %mul3A_287 = arith.mulf %get3A_280, %get3A_286 : vector<16xf32>
      %mul3A_288 = arith.mulf %get3A_283, %get3A_286 : vector<16xf32>
      %add3A_289 = arith.constant 9.99999993E-9 : f32
      %add3A_290 = vector.broadcast %add3A_289 : f32 to vector<16xf32>
      %add3A_291 = arith.addf %get3A_280, %add3A_290 : vector<16xf32>
      %bitcast_convert_type3A_292 = tpu.bitcast %add3A_291 : vector<16xf32> -> vector<16xi32>
      %shift_right_arithmetic3A_293 = arith.constant 23 : i32
      %shift_right_arithmetic3A_294 = vector.broadcast %shift_right_arithmetic3A_293 : i32 to vector<16xi32>
      %shift_right_arithmetic3A_295 = arith.shrsi %bitcast_convert_type3A_292, %shift_right_arithmetic3A_294 : vector<16xi32>
      %sub3A_296 = arith.constant 127 : i32
      %sub3A_297 = vector.broadcast %sub3A_296 : i32 to vector<16xi32>
      %sub3A_298 = arith.subi %shift_right_arithmetic3A_295, %sub3A_297 : vector<16xi32>
      %and3A_299 = arith.constant 8388607 : i32
      %and3A_300 = vector.broadcast %and3A_299 : i32 to vector<16xi32>
      %and3A_301 = arith.andi %bitcast_convert_type3A_292, %and3A_300 : vector<16xi32>
      %or3A_302 = arith.constant 1065353216 : i32
      %or3A_303 = vector.broadcast %or3A_302 : i32 to vector<16xi32>
      %or3A_304 = arith.ori %and3A_301, %or3A_303 : vector<16xi32>
      %bitcast_convert_type3A_305 = tpu.bitcast %or3A_304 : vector<16xi32> -> vector<16xf32>
      %sub3A_306 = arith.constant 1.000000e+00 : f32
      %sub3A_307 = vector.broadcast %sub3A_306 : f32 to vector<16xf32>
      %sub3A_308 = arith.subf %bitcast_convert_type3A_305, %sub3A_307 : vector<16xf32>
      %mul3A_309 = arith.constant 0.0304490048 : f32
      %mul3A_310 = vector.broadcast %mul3A_309 : f32 to vector<16xf32>
      %mul3A_311 = arith.mulf %mul3A_310, %sub3A_308 : vector<16xf32>
      %add3A_312 = arith.constant -0.131581828 : f32
      %add3A_313 = vector.broadcast %add3A_312 : f32 to vector<16xf32>
      %add3A_314 = arith.addf %mul3A_311, %add3A_313 : vector<16xf32>
      %mul3A_315 = arith.mulf %add3A_314, %sub3A_308 : vector<16xf32>
      %add3A_316 = arith.constant 0.285272688 : f32
      %add3A_317 = vector.broadcast %add3A_316 : f32 to vector<16xf32>
      %add3A_318 = arith.addf %mul3A_315, %add3A_317 : vector<16xf32>
      %mul3A_319 = arith.mulf %add3A_318, %sub3A_308 : vector<16xf32>
      %add3A_320 = arith.constant -0.490230709 : f32
      %add3A_321 = vector.broadcast %add3A_320 : f32 to vector<16xf32>
      %add3A_322 = arith.addf %mul3A_319, %add3A_321 : vector<16xf32>
      %mul3A_323 = arith.mulf %add3A_322, %sub3A_308 : vector<16xf32>
      %add3A_324 = arith.constant 0.99923551 : f32
      %add3A_325 = vector.broadcast %add3A_324 : f32 to vector<16xf32>
      %add3A_326 = arith.addf %mul3A_323, %add3A_325 : vector<16xf32>
      %mul3A_327 = arith.mulf %add3A_326, %sub3A_308 : vector<16xf32>
      %add3A_328 = arith.constant 9.9750323E-6 : f32
      %add3A_329 = vector.broadcast %add3A_328 : f32 to vector<16xf32>
      %add3A_330 = arith.addf %mul3A_327, %add3A_329 : vector<16xf32>
      %convert_element_type3A_331 = arith.sitofp %sub3A_298 : vector<16xi32> to vector<16xf32>
      %mul3A_332 = arith.constant 0.693147182 : f32
      %mul3A_333 = vector.broadcast %mul3A_332 : f32 to vector<16xf32>
      %mul3A_334 = arith.mulf %convert_element_type3A_331, %mul3A_333 : vector<16xf32>
      %add3A_335 = arith.addf %mul3A_334, %add3A_330 : vector<16xf32>
      %add3A_336 = arith.addf %add3A_261, %get3A_286 : vector<16xf32>
      %add3A_337 = arith.addf %add3A_262, %mul3A_287 : vector<16xf32>
      %add3A_338 = arith.addf %add3A_263, %mul3A_288 : vector<16xf32>
      %mul3A_339 = arith.mulf %get3A_280, %mul3A_287 : vector<16xf32>
      %add3A_340 = arith.addf %add3A_265, %mul3A_339 : vector<16xf32>
      %mul3A_341 = arith.mulf %get3A_283, %mul3A_288 : vector<16xf32>
      %add3A_342 = arith.addf %add3A_267, %mul3A_341 : vector<16xf32>
      %mul3A_343 = arith.mulf %get3A_280, %mul3A_288 : vector<16xf32>
      %add3A_344 = arith.addf %add3A_269, %mul3A_343 : vector<16xf32>
      %mul3A_345 = arith.mulf %add3A_335, %mul3A_288 : vector<16xf32>
      %add3A_346 = arith.addf %add3A_271, %mul3A_345 : vector<16xf32>
      scf.yield %add3A_336, %add3A_337, %add3A_338, %add3A_340, %add3A_342, %add3A_344, %add3A_346 : vector<16xf32>, vector<16xf32>, vector<16xf32>, vector<16xf32>, vector<16xf32>, vector<16xf32>, vector<16xf32>
    }
    %scan3A_18 = arith.constant 16 : i32
    %swap3A = arith.constant 0 : index
    %swap3A_19 = tpu.vector_load %arg9[%swap3A] {strides = array<i32>} : memref<112xf32, #tpu.memory_space<vmem>>, vector<16xf32>,
    %swap3A_20 = vector.shape_cast %swap3A_19 : vector<16xf32> to vector<16xf32>
    %swap3A_21 = vector.shape_cast %scan3A_17#0 : vector<16xf32> to vector<16xf32>
    tpu.vector_store %arg9[%swap3A], %swap3A_21 {strides = array<i32>} : memref<112xf32, #tpu.memory_space<vmem>>, vector<16xf32>,
    %swap3A_22 = arith.constant 16 : index
    %swap3A_23 = tpu.vector_load %arg9[%swap3A_22] {strides = array<i32>} : memref<112xf32, #tpu.memory_space<vmem>>, vector<16xf32>,
    %swap3A_24 = vector.shape_cast %swap3A_23 : vector<16xf32> to vector<16xf32>
    %swap3A_25 = vector.shape_cast %scan3A_17#1 : vector<16xf32> to vector<16xf32>
    tpu.vector_store %arg9[%swap3A_22], %swap3A_25 {strides = array<i32>} : memref<112xf32, #tpu.memory_space<vmem>>, vector<16xf32>,
    %swap3A_26 = arith.constant 32 : index
    %swap3A_27 = tpu.vector_load %arg9[%swap3A_26] {strides = array<i32>} : memref<112xf32, #tpu.memory_space<vmem>>, vector<16xf32>,
    %swap3A_28 = vector.shape_cast %swap3A_27 : vector<16xf32> to vector<16xf32>
    %swap3A_29 = vector.shape_cast %scan3A_17#2 : vector<16xf32> to vector<16xf32>
    tpu.vector_store %arg9[%swap3A_26], %swap3A_29 {strides = array<i32>} : memref<112xf32, #tpu.memory_space<vmem>>, vector<16xf32>,
    %swap3A_30 = arith.constant 48 : index
    %swap3A_31 = tpu.vector_load %arg9[%swap3A_30] {strides = array<i32>} : memref<112xf32, #tpu.memory_space<vmem>>, vector<16xf32>,
    %swap3A_32 = vector.shape_cast %swap3A_31 : vector<16xf32> to vector<16xf32>
    %swap3A_33 = vector.shape_cast %scan3A_17#3 : vector<16xf32> to vector<16xf32>
    tpu.vector_store %arg9[%swap3A_30], %swap3A_33 {strides = array<i32>} : memref<112xf32, #tpu.memory_space<vmem>>, vector<16xf32>,
    %swap3A_34 = arith.constant 64 : index
    %swap3A_35 = tpu.vector_load %arg9[%swap3A_34] {strides = array<i32>} : memref<112xf32, #tpu.memory_space<vmem>>, vector<16xf32>,
    %swap3A_36 = vector.shape_cast %swap3A_35 : vector<16xf32> to vector<16xf32>
    %swap3A_37 = vector.shape_cast %scan3A_17#4 : vector<16xf32> to vector<16xf32>
    tpu.vector_store %arg9[%swap3A_34], %swap3A_37 {strides = array<i32>} : memref<112xf32, #tpu.memory_space<vmem>>, vector<16xf32>,
    %swap3A_38 = arith.constant 80 : index
    %swap3A_39 = tpu.vector_load %arg9[%swap3A_38] {strides = array<i32>} : memref<112xf32, #tpu.memory_space<vmem>>, vector<16xf32>,
    %swap3A_40 = vector.shape_cast %swap3A_39 : vector<16xf32> to vector<16xf32>
    %swap3A_41 = vector.shape_cast %scan3A_17#5 : vector<16xf32> to vector<16xf32>
    tpu.vector_store %arg9[%swap3A_38], %swap3A_41 {strides = array<i32>} : memref<112xf32, #tpu.memory_space<vmem>>, vector<16xf32>,
    %swap3A_42 = arith.constant 96 : index
    %swap3A_43 = tpu.vector_load %arg9[%swap3A_42] {strides = array<i32>} : memref<112xf32, #tpu.memory_space<vmem>>, vector<16xf32>,
    %swap3A_44 = vector.shape_cast %swap3A_43 : vector<16xf32> to vector<16xf32>
    %swap3A_45 = vector.shape_cast %scan3A_17#6 : vector<16xf32> to vector<16xf32>
    tpu.vector_store %arg9[%swap3A_42], %swap3A_45 {strides = array<i32>} : memref<112xf32, #tpu.memory_space<vmem>>, vector<16xf32>,
    "tpu.region"() ({
      %run_scoped3A = tpu.sem_alloc : memref<!tpu.dma_semaphore, #tpu.memory_space<semaphore_mem>>
      %dma_start3A_46 = arith.constant 0 : i32
      %dma_start3A_47 = tpu.memref_slice %arg5[%add3A, %dma_start3A_46] : memref<32x112xf32, #tpu.memory_space<hbm>> -> memref<1x112xf32, #tpu.memory_space<hbm>>
      %dma_start3A_48 = tpu.memref_squeeze %dma_start3A_47 : memref<1x112xf32, #tpu.memory_space<hbm>> -> memref<112xf32, #tpu.memory_space<hbm>>
      %dma_start3A_49 = arith.constant 0 : i32
      %dma_start3A_50 = tpu.memref_slice %arg5[%add3A, %dma_start3A_49] : memref<32x112xf32, #tpu.memory_space<hbm>> -> memref<1x112xf32, #tpu.memory_space<hbm>>
      %dma_start3A_51 = tpu.memref_squeeze %dma_start3A_50 : memref<1x112xf32, #tpu.memory_space<hbm>> -> memref<112xf32, #tpu.memory_space<hbm>>
      tpu.enqueue_dma source(%arg9 : memref<112xf32, #tpu.memory_space<vmem>>) target(%dma_start3A_51 : memref<112xf32, #tpu.memory_space<hbm>>) target_semaphore(%run_scoped3A : memref<!tpu.dma_semaphore, #tpu.memory_space<semaphore_mem>>)
      %dma_wait3A_52 = arith.constant 0 : i32
      %dma_wait3A_53 = tpu.memref_slice %arg5[%add3A, %dma_wait3A_52] : memref<32x112xf32, #tpu.memory_space<hbm>> -> memref<1x112xf32, #tpu.memory_space<hbm>>
      %dma_wait3A_54 = tpu.memref_squeeze %dma_wait3A_53 : memref<1x112xf32, #tpu.memory_space<hbm>> -> memref<112xf32, #tpu.memory_space<hbm>>
      %dma_wait3A_55 = arith.constant 0 : i32
      %dma_wait3A_56 = tpu.memref_slice %arg5[%add3A, %dma_wait3A_55] : memref<32x112xf32, #tpu.memory_space<hbm>> -> memref<1x112xf32, #tpu.memory_space<hbm>>
      %dma_wait3A_57 = tpu.memref_squeeze %dma_wait3A_56 : memref<1x112xf32, #tpu.memory_space<hbm>> -> memref<112xf32, #tpu.memory_space<hbm>>
      tpu.wait_dma2 semaphore(%run_scoped3A : memref<!tpu.dma_semaphore, #tpu.memory_space<semaphore_mem>>) src(%arg9 : memref<112xf32, #tpu.memory_space<vmem>>) dst(%dma_wait3A_57 : memref<112xf32, #tpu.memory_space<hbm>>)
      tpu.yield
    }) : () -> ()
    return
  }
}

module attributes {stable_mosaic.version = 14 : i64} {
  func.func @_tc_partials_body(%arg0: i32, %arg1: memref<8x4096xf32, #tpu.memory_space<vmem>>, %arg2: memref<8x4096xf32, #tpu.memory_space<vmem>>, %arg3: memref<8x4096xi32, #tpu.memory_space<vmem>>, %arg4: memref<1x8xf32, #tpu.memory_space<smem>>) attributes {dimension_semantics = [#tpu.dimension_semantics<arbitrary>], iteration_bounds = array<i64: 1>, scalar_prefetch = 0 : i64, scratch_operands = 0 : i64, tpu.core_type = #tpu.core_type<tc>, window_params = [{transform_indices = @transform_0, window_bounds = array<i64: 8, 4096>}, {transform_indices = @transform_1, window_bounds = array<i64: 8, 4096>}, {transform_indices = @transform_2, window_bounds = array<i64: 8, 4096>}, {transform_indices = @transform_3, window_bounds = array<i64: 1, 8>}]} {
    %get3A = arith.constant 0 : index
    %get3A_0 = arith.constant 0 : index
    %get3A_1 = vector.load %arg1[%get3A, %get3A_0] : memref<8x4096xf32, #tpu.memory_space<vmem>>, vector<8x4096xf32>
    %get3A_2 = arith.constant 0 : index
    %get3A_3 = arith.constant 0 : index
    %get3A_4 = vector.load %arg2[%get3A_2, %get3A_3] : memref<8x4096xf32, #tpu.memory_space<vmem>>, vector<8x4096xf32>
    %get3A_5 = arith.constant 0 : index
    %get3A_6 = arith.constant 0 : index
    %get3A_7 = vector.load %arg3[%get3A_5, %get3A_6] : memref<8x4096xi32, #tpu.memory_space<vmem>>, vector<8x4096xi32>
    %get3A_8 = arith.constant dense<0> : vector<8x4096xi32>
    %get3A_9 = arith.cmpi ne, %get3A_7, %get3A_8 : vector<8x4096xi32>
    %convert_element_type3A = arith.extui %get3A_9 : vector<8x4096xi1> to vector<8x4096xi32>
    %convert_element_type3A_10 = arith.sitofp %convert_element_type3A : vector<8x4096xi32> to vector<8x4096xf32>
    %mul3A = arith.mulf %get3A_1, %convert_element_type3A_10 : vector<8x4096xf32>
    %mul3A_11 = arith.mulf %get3A_4, %convert_element_type3A_10 : vector<8x4096xf32>
    %reduce_sum3A = vector.shape_cast %convert_element_type3A_10 : vector<8x4096xf32> to vector<1x8x4096xf32>
    %reduce_sum3A_12 = arith.constant dense<0.000000e+00> : vector<1xf32>
    %reduce_sum3A_13 = vector.multi_reduction <add>, %reduce_sum3A, %reduce_sum3A_12 [1, 2] : vector<1x8x4096xf32> to vector<1xf32>
    %reduce_sum3A_14 = vector.shape_cast %reduce_sum3A_13 : vector<1xf32> to vector<1x1x1xf32>
    %reduce_sum3A_15 = vector.extract %reduce_sum3A_14[0, 0, 0] : f32 from vector<1x1x1xf32>
    %swap3A = arith.constant 0 : index
    %swap3A_16 = arith.constant 0 : index
    %swap3A_17 = memref.load %arg4[%swap3A, %swap3A_16] : memref<1x8xf32, #tpu.memory_space<smem>>
    memref.store %reduce_sum3A_15, %arg4[%swap3A, %swap3A_16] : memref<1x8xf32, #tpu.memory_space<smem>>
    %reduce_sum3A_18 = vector.shape_cast %mul3A : vector<8x4096xf32> to vector<1x8x4096xf32>
    %reduce_sum3A_19 = arith.constant dense<0.000000e+00> : vector<1xf32>
    %reduce_sum3A_20 = vector.multi_reduction <add>, %reduce_sum3A_18, %reduce_sum3A_19 [1, 2] : vector<1x8x4096xf32> to vector<1xf32>
    %reduce_sum3A_21 = vector.shape_cast %reduce_sum3A_20 : vector<1xf32> to vector<1x1x1xf32>
    %reduce_sum3A_22 = vector.extract %reduce_sum3A_21[0, 0, 0] : f32 from vector<1x1x1xf32>
    %swap3A_23 = arith.constant 0 : index
    %swap3A_24 = arith.constant 1 : index
    %swap3A_25 = memref.load %arg4[%swap3A_23, %swap3A_24] : memref<1x8xf32, #tpu.memory_space<smem>>
    memref.store %reduce_sum3A_22, %arg4[%swap3A_23, %swap3A_24] : memref<1x8xf32, #tpu.memory_space<smem>>
    %reduce_sum3A_26 = vector.shape_cast %mul3A_11 : vector<8x4096xf32> to vector<1x8x4096xf32>
    %reduce_sum3A_27 = arith.constant dense<0.000000e+00> : vector<1xf32>
    %reduce_sum3A_28 = vector.multi_reduction <add>, %reduce_sum3A_26, %reduce_sum3A_27 [1, 2] : vector<1x8x4096xf32> to vector<1xf32>
    %reduce_sum3A_29 = vector.shape_cast %reduce_sum3A_28 : vector<1xf32> to vector<1x1x1xf32>
    %reduce_sum3A_30 = vector.extract %reduce_sum3A_29[0, 0, 0] : f32 from vector<1x1x1xf32>
    %swap3A_31 = arith.constant 0 : index
    %swap3A_32 = arith.constant 2 : index
    %swap3A_33 = memref.load %arg4[%swap3A_31, %swap3A_32] : memref<1x8xf32, #tpu.memory_space<smem>>
    memref.store %reduce_sum3A_30, %arg4[%swap3A_31, %swap3A_32] : memref<1x8xf32, #tpu.memory_space<smem>>
    %mul3A_34 = arith.mulf %get3A_1, %mul3A : vector<8x4096xf32>
    %reduce_sum3A_35 = vector.shape_cast %mul3A_34 : vector<8x4096xf32> to vector<1x8x4096xf32>
    %reduce_sum3A_36 = arith.constant dense<0.000000e+00> : vector<1xf32>
    %reduce_sum3A_37 = vector.multi_reduction <add>, %reduce_sum3A_35, %reduce_sum3A_36 [1, 2] : vector<1x8x4096xf32> to vector<1xf32>
    %reduce_sum3A_38 = vector.shape_cast %reduce_sum3A_37 : vector<1xf32> to vector<1x1x1xf32>
    %reduce_sum3A_39 = vector.extract %reduce_sum3A_38[0, 0, 0] : f32 from vector<1x1x1xf32>
    %swap3A_40 = arith.constant 0 : index
    %swap3A_41 = arith.constant 3 : index
    %swap3A_42 = memref.load %arg4[%swap3A_40, %swap3A_41] : memref<1x8xf32, #tpu.memory_space<smem>>
    memref.store %reduce_sum3A_39, %arg4[%swap3A_40, %swap3A_41] : memref<1x8xf32, #tpu.memory_space<smem>>
    %mul3A_43 = arith.mulf %get3A_4, %mul3A_11 : vector<8x4096xf32>
    %reduce_sum3A_44 = vector.shape_cast %mul3A_43 : vector<8x4096xf32> to vector<1x8x4096xf32>
    %reduce_sum3A_45 = arith.constant dense<0.000000e+00> : vector<1xf32>
    %reduce_sum3A_46 = vector.multi_reduction <add>, %reduce_sum3A_44, %reduce_sum3A_45 [1, 2] : vector<1x8x4096xf32> to vector<1xf32>
    %reduce_sum3A_47 = vector.shape_cast %reduce_sum3A_46 : vector<1xf32> to vector<1x1x1xf32>
    %reduce_sum3A_48 = vector.extract %reduce_sum3A_47[0, 0, 0] : f32 from vector<1x1x1xf32>
    %swap3A_49 = arith.constant 0 : index
    %swap3A_50 = arith.constant 4 : index
    %swap3A_51 = memref.load %arg4[%swap3A_49, %swap3A_50] : memref<1x8xf32, #tpu.memory_space<smem>>
    memref.store %reduce_sum3A_48, %arg4[%swap3A_49, %swap3A_50] : memref<1x8xf32, #tpu.memory_space<smem>>
    %mul3A_52 = arith.mulf %get3A_1, %mul3A_11 : vector<8x4096xf32>
    %reduce_sum3A_53 = vector.shape_cast %mul3A_52 : vector<8x4096xf32> to vector<1x8x4096xf32>
    %reduce_sum3A_54 = arith.constant dense<0.000000e+00> : vector<1xf32>
    %reduce_sum3A_55 = vector.multi_reduction <add>, %reduce_sum3A_53, %reduce_sum3A_54 [1, 2] : vector<1x8x4096xf32> to vector<1xf32>
    %reduce_sum3A_56 = vector.shape_cast %reduce_sum3A_55 : vector<1xf32> to vector<1x1x1xf32>
    %reduce_sum3A_57 = vector.extract %reduce_sum3A_56[0, 0, 0] : f32 from vector<1x1x1xf32>
    %swap3A_58 = arith.constant 0 : index
    %swap3A_59 = arith.constant 5 : index
    %swap3A_60 = memref.load %arg4[%swap3A_58, %swap3A_59] : memref<1x8xf32, #tpu.memory_space<smem>>
    memref.store %reduce_sum3A_57, %arg4[%swap3A_58, %swap3A_59] : memref<1x8xf32, #tpu.memory_space<smem>>
    %add3A = arith.constant 9.99999993E-9 : f32
    %add3A_61 = vector.broadcast %add3A : f32 to vector<8x4096xf32>
    %add3A_62 = arith.addf %get3A_1, %add3A_61 : vector<8x4096xf32>
    %log3A = math.log %add3A_62 : vector<8x4096xf32>
    %mul3A_63 = arith.mulf %log3A, %mul3A_11 : vector<8x4096xf32>
    %reduce_sum3A_64 = vector.shape_cast %mul3A_63 : vector<8x4096xf32> to vector<1x8x4096xf32>
    %reduce_sum3A_65 = arith.constant dense<0.000000e+00> : vector<1xf32>
    %reduce_sum3A_66 = vector.multi_reduction <add>, %reduce_sum3A_64, %reduce_sum3A_65 [1, 2] : vector<1x8x4096xf32> to vector<1xf32>
    %reduce_sum3A_67 = vector.shape_cast %reduce_sum3A_66 : vector<1xf32> to vector<1x1x1xf32>
    %reduce_sum3A_68 = vector.extract %reduce_sum3A_67[0, 0, 0] : f32 from vector<1x1x1xf32>
    %swap3A_69 = arith.constant 0 : index
    %swap3A_70 = arith.constant 6 : index
    %swap3A_71 = memref.load %arg4[%swap3A_69, %swap3A_70] : memref<1x8xf32, #tpu.memory_space<smem>>
    memref.store %reduce_sum3A_68, %arg4[%swap3A_69, %swap3A_70] : memref<1x8xf32, #tpu.memory_space<smem>>
    %swap3A_72 = arith.constant 0.000000e+00 : f32
    %swap3A_73 = arith.constant 0 : index
    %swap3A_74 = arith.constant 7 : index
    %swap3A_75 = memref.load %arg4[%swap3A_73, %swap3A_74] : memref<1x8xf32, #tpu.memory_space<smem>>
    memref.store %swap3A_72, %arg4[%swap3A_73, %swap3A_74] : memref<1x8xf32, #tpu.memory_space<smem>>
    return
  }
  func.func @transform_0(%arg0: i32) -> (i32, i32) {
    %c1_i32 = arith.constant 1 : i32
    %c0_i32 = arith.constant 0 : i32
    %c0_i32_0 = arith.constant 0 : i32
    return %c1_i32, %c0_i32 : i32, i32
  }
  func.func @transform_1(%arg0: i32) -> (i32, i32) {
    %c1_i32 = arith.constant 1 : i32
    %c0_i32 = arith.constant 0 : i32
    %c0_i32_0 = arith.constant 0 : i32
    return %c1_i32, %c0_i32 : i32, i32
  }
  func.func @transform_2(%arg0: i32) -> (i32, i32) {
    %c1_i32 = arith.constant 1 : i32
    %c0_i32 = arith.constant 0 : i32
    %c0_i32_0 = arith.constant 0 : i32
    return %c1_i32, %c0_i32 : i32, i32
  }
  func.func @transform_3(%arg0: i32) -> (i32, i32) {
    %c0_i32 = arith.constant 0 : i32
    %c0_i32_0 = arith.constant 0 : i32
    %c0_i32_1 = arith.constant 0 : i32
    return %c0_i32, %c0_i32_0 : i32, i32
  }
}

module attributes {stable_mosaic.version = 14 : i64} {
  func.func @_tc_finalize_body(%arg0: memref<1x1xf32, #tpu.memory_space<smem>>, %arg1: memref<32x112xf32, #tpu.memory_space<vmem>>, %arg2: memref<1x8xf32, #tpu.memory_space<smem>>, %arg3: memref<1x1xf32, #tpu.memory_space<vmem>>) attributes {dimension_semantics = [], scalar_prefetch = 0 : i64, scratch_operands = 0 : i64, tpu.core_type = #tpu.core_type<tc>} {
    %get3A = arith.constant 0 : index
    %get3A_0 = arith.constant 0 : index
    %get3A_1 = vector.load %arg1[%get3A, %get3A_0] : memref<32x112xf32, #tpu.memory_space<vmem>>, vector<32x112xf32>
    %slice3A = vector.extract_strided_slice %get3A_1 {offsets = [0, 0], sizes = [32, 16], strides = [1, 1]} : vector<32x112xf32> to vector<32x16xf32>
    %reduce_sum3A = vector.shape_cast %slice3A : vector<32x16xf32> to vector<1x32x16xf32>
    %reduce_sum3A_2 = arith.constant dense<0.000000e+00> : vector<1xf32>
    %reduce_sum3A_3 = vector.multi_reduction <add>, %reduce_sum3A, %reduce_sum3A_2 [1, 2] : vector<1x32x16xf32> to vector<1xf32>
    %reduce_sum3A_4 = vector.shape_cast %reduce_sum3A_3 : vector<1xf32> to vector<1x1x1xf32>
    %reduce_sum3A_5 = vector.extract %reduce_sum3A_4[0, 0, 0] : f32 from vector<1x1x1xf32>
    %get3A_6 = arith.constant 0 : index
    %get3A_7 = arith.constant 0 : index
    %get3A_8 = memref.load %arg2[%get3A_6, %get3A_7] : memref<1x8xf32, #tpu.memory_space<smem>>
    %add3A = arith.addf %reduce_sum3A_5, %get3A_8 : f32
    %slice3A_9 = vector.extract_strided_slice %get3A_1 {offsets = [0, 16], sizes = [32, 16], strides = [1, 1]} : vector<32x112xf32> to vector<32x16xf32>
    %reduce_sum3A_10 = vector.shape_cast %slice3A_9 : vector<32x16xf32> to vector<1x32x16xf32>
    %reduce_sum3A_11 = arith.constant dense<0.000000e+00> : vector<1xf32>
    %reduce_sum3A_12 = vector.multi_reduction <add>, %reduce_sum3A_10, %reduce_sum3A_11 [1, 2] : vector<1x32x16xf32> to vector<1xf32>
    %reduce_sum3A_13 = vector.shape_cast %reduce_sum3A_12 : vector<1xf32> to vector<1x1x1xf32>
    %reduce_sum3A_14 = vector.extract %reduce_sum3A_13[0, 0, 0] : f32 from vector<1x1x1xf32>
    %get3A_15 = arith.constant 0 : index
    %get3A_16 = arith.constant 1 : index
    %get3A_17 = memref.load %arg2[%get3A_15, %get3A_16] : memref<1x8xf32, #tpu.memory_space<smem>>
    %add3A_18 = arith.addf %reduce_sum3A_14, %get3A_17 : f32
    %slice3A_19 = vector.extract_strided_slice %get3A_1 {offsets = [0, 32], sizes = [32, 16], strides = [1, 1]} : vector<32x112xf32> to vector<32x16xf32>
    %reduce_sum3A_20 = vector.shape_cast %slice3A_19 : vector<32x16xf32> to vector<1x32x16xf32>
    %reduce_sum3A_21 = arith.constant dense<0.000000e+00> : vector<1xf32>
    %reduce_sum3A_22 = vector.multi_reduction <add>, %reduce_sum3A_20, %reduce_sum3A_21 [1, 2] : vector<1x32x16xf32> to vector<1xf32>
    %reduce_sum3A_23 = vector.shape_cast %reduce_sum3A_22 : vector<1xf32> to vector<1x1x1xf32>
    %reduce_sum3A_24 = vector.extract %reduce_sum3A_23[0, 0, 0] : f32 from vector<1x1x1xf32>
    %get3A_25 = arith.constant 0 : index
    %get3A_26 = arith.constant 2 : index
    %get3A_27 = memref.load %arg2[%get3A_25, %get3A_26] : memref<1x8xf32, #tpu.memory_space<smem>>
    %add3A_28 = arith.addf %reduce_sum3A_24, %get3A_27 : f32
    %slice3A_29 = vector.extract_strided_slice %get3A_1 {offsets = [0, 48], sizes = [32, 16], strides = [1, 1]} : vector<32x112xf32> to vector<32x16xf32>
    %reduce_sum3A_30 = vector.shape_cast %slice3A_29 : vector<32x16xf32> to vector<1x32x16xf32>
    %reduce_sum3A_31 = arith.constant dense<0.000000e+00> : vector<1xf32>
    %reduce_sum3A_32 = vector.multi_reduction <add>, %reduce_sum3A_30, %reduce_sum3A_31 [1, 2] : vector<1x32x16xf32> to vector<1xf32>
    %reduce_sum3A_33 = vector.shape_cast %reduce_sum3A_32 : vector<1xf32> to vector<1x1x1xf32>
    %reduce_sum3A_34 = vector.extract %reduce_sum3A_33[0, 0, 0] : f32 from vector<1x1x1xf32>
    %get3A_35 = arith.constant 0 : index
    %get3A_36 = arith.constant 3 : index
    %get3A_37 = memref.load %arg2[%get3A_35, %get3A_36] : memref<1x8xf32, #tpu.memory_space<smem>>
    %add3A_38 = arith.addf %reduce_sum3A_34, %get3A_37 : f32
    %slice3A_39 = vector.extract_strided_slice %get3A_1 {offsets = [0, 64], sizes = [32, 16], strides = [1, 1]} : vector<32x112xf32> to vector<32x16xf32>
    %reduce_sum3A_40 = vector.shape_cast %slice3A_39 : vector<32x16xf32> to vector<1x32x16xf32>
    %reduce_sum3A_41 = arith.constant dense<0.000000e+00> : vector<1xf32>
    %reduce_sum3A_42 = vector.multi_reduction <add>, %reduce_sum3A_40, %reduce_sum3A_41 [1, 2] : vector<1x32x16xf32> to vector<1xf32>
    %reduce_sum3A_43 = vector.shape_cast %reduce_sum3A_42 : vector<1xf32> to vector<1x1x1xf32>
    %reduce_sum3A_44 = vector.extract %reduce_sum3A_43[0, 0, 0] : f32 from vector<1x1x1xf32>
    %get3A_45 = arith.constant 0 : index
    %get3A_46 = arith.constant 4 : index
    %get3A_47 = memref.load %arg2[%get3A_45, %get3A_46] : memref<1x8xf32, #tpu.memory_space<smem>>
    %add3A_48 = arith.addf %reduce_sum3A_44, %get3A_47 : f32
    %slice3A_49 = vector.extract_strided_slice %get3A_1 {offsets = [0, 80], sizes = [32, 16], strides = [1, 1]} : vector<32x112xf32> to vector<32x16xf32>
    %reduce_sum3A_50 = vector.shape_cast %slice3A_49 : vector<32x16xf32> to vector<1x32x16xf32>
    %reduce_sum3A_51 = arith.constant dense<0.000000e+00> : vector<1xf32>
    %reduce_sum3A_52 = vector.multi_reduction <add>, %reduce_sum3A_50, %reduce_sum3A_51 [1, 2] : vector<1x32x16xf32> to vector<1xf32>
    %reduce_sum3A_53 = vector.shape_cast %reduce_sum3A_52 : vector<1xf32> to vector<1x1x1xf32>
    %reduce_sum3A_54 = vector.extract %reduce_sum3A_53[0, 0, 0] : f32 from vector<1x1x1xf32>
    %get3A_55 = arith.constant 0 : index
    %get3A_56 = arith.constant 5 : index
    %get3A_57 = memref.load %arg2[%get3A_55, %get3A_56] : memref<1x8xf32, #tpu.memory_space<smem>>
    %add3A_58 = arith.addf %reduce_sum3A_54, %get3A_57 : f32
    %slice3A_59 = vector.extract_strided_slice %get3A_1 {offsets = [0, 96], sizes = [32, 16], strides = [1, 1]} : vector<32x112xf32> to vector<32x16xf32>
    %reduce_sum3A_60 = vector.shape_cast %slice3A_59 : vector<32x16xf32> to vector<1x32x16xf32>
    %reduce_sum3A_61 = arith.constant dense<0.000000e+00> : vector<1xf32>
    %reduce_sum3A_62 = vector.multi_reduction <add>, %reduce_sum3A_60, %reduce_sum3A_61 [1, 2] : vector<1x32x16xf32> to vector<1xf32>
    %reduce_sum3A_63 = vector.shape_cast %reduce_sum3A_62 : vector<1xf32> to vector<1x1x1xf32>
    %reduce_sum3A_64 = vector.extract %reduce_sum3A_63[0, 0, 0] : f32 from vector<1x1x1xf32>
    %get3A_65 = arith.constant 0 : index
    %get3A_66 = arith.constant 6 : index
    %get3A_67 = memref.load %arg2[%get3A_65, %get3A_66] : memref<1x8xf32, #tpu.memory_space<smem>>
    %add3A_68 = arith.addf %reduce_sum3A_64, %get3A_67 : f32
    %sub3A = arith.subf %add3A_18, %add3A_68 : f32
    %div3A = arith.divf %add3A_18, %add3A : f32
    %div3A_69 = arith.divf %add3A_28, %add3A : f32
    %mul3A = arith.mulf %add3A, %div3A : f32
    %mul3A_70 = arith.mulf %mul3A, %div3A_69 : f32
    %sub3A_71 = arith.subf %add3A_58, %mul3A_70 : f32
    %mul3A_72 = arith.mulf %add3A, %div3A : f32
    %mul3A_73 = arith.mulf %mul3A_72, %div3A : f32
    %sub3A_74 = arith.subf %add3A_38, %mul3A_73 : f32
    %max3A = arith.constant 0.000000e+00 : f32
    %max3A_75 = arith.maximumf %sub3A_74, %max3A : f32
    %sqrt3A = math.sqrt %max3A_75 : f32
    %mul3A_76 = arith.mulf %add3A, %div3A_69 : f32
    %mul3A_77 = arith.mulf %mul3A_76, %div3A_69 : f32
    %sub3A_78 = arith.subf %add3A_48, %mul3A_77 : f32
    %max3A_79 = arith.constant 0.000000e+00 : f32
    %max3A_80 = arith.maximumf %sub3A_78, %max3A_79 : f32
    %sqrt3A_81 = math.sqrt %max3A_80 : f32
    %max3A_82 = arith.constant 9.99999997E-7 : f32
    %max3A_83 = arith.maximumf %sqrt3A, %max3A_82 : f32
    %max3A_84 = arith.constant 9.99999997E-7 : f32
    %max3A_85 = arith.maximumf %sqrt3A_81, %max3A_84 : f32
    %mul3A_86 = arith.mulf %max3A_83, %max3A_85 : f32
    %div3A_87 = arith.divf %sub3A_71, %mul3A_86 : f32
    %get3A_88 = arith.constant 0 : index
    %get3A_89 = arith.constant 0 : index
    %get3A_90 = memref.load %arg0[%get3A_88, %get3A_89] : memref<1x1xf32, #tpu.memory_space<smem>>
    %div3A_91 = arith.constant 1.000000e+01 : f32
    %div3A_92 = arith.divf %get3A_90, %div3A_91 : f32
    %sub3A_93 = arith.constant 1.000000e+00 : f32
    %sub3A_94 = arith.subf %sub3A_93, %div3A_92 : f32
    %max3A_95 = arith.constant 0.000000e+00 : f32
    %max3A_96 = arith.maximumf %max3A_95, %sub3A_94 : f32
    %sub3A_97 = arith.constant 1.000000e+00 : f32
    %sub3A_98 = arith.subf %sub3A_97, %div3A_87 : f32
    %div3A_99 = arith.divf %sub3A, %add3A : f32
    %mul3A_100 = arith.mulf %max3A_96, %div3A_99 : f32
    %add3A_101 = arith.addf %sub3A_98, %mul3A_100 : f32
    %broadcast_in_dim3A = vector.broadcast %add3A_101 : f32 to vector<1x1xf32>
    %swap3A = arith.constant 0 : index
    %swap3A_102 = arith.constant 0 : index
    %swap3A_103 = vector.load %arg3[%swap3A, %swap3A_102] : memref<1x1xf32, #tpu.memory_space<vmem>>, vector<1x1xf32>
    tpu.vector_store %arg3[%swap3A, %swap3A_102], %broadcast_in_dim3A {strides = array<i32>} : memref<1x1xf32, #tpu.memory_space<vmem>>, vector<1x1xf32>,
    return
  }
}

</mosaic_0001>

<sc_bundles>
// kernel: kernel.5.cloned.1.call-start
scs
__scs_entry_jumppad:
0x0: {  	(pc) =	sbr.rel $0x88, $3  }
0x1: {  	(tag) =	ssettag $0x0;
	lr =	simm.s32 $0x1  }
0x2: {  	[smem:$0x3F9D] =	sst lr;
	_ =	strace $0xD0000000  }
0x3: {  	_ = 	snop  }
0x4: {  	_ = 	snop  }
0x5: {  	_ = 	snop  }
0x6: {  	_ = 	snop  }
0x7: {  	_ = 	snop  }
__scs_overlays_trampoline_lowered:
0x8: {  	[smem:$0x3FAC] =	sst s0  }
0x9: {  	[smem:$0x3FAD] =	sst s1  }
0xa: {  	[smem:$0x3FAE] =	sst s2  }
0xb: {  	[smem:$0x3FAF] =	sst s3  }
0xc: {  	[smem:$0x3FB0] =	sst s4  }
0xd: {  	[smem:$0x3FB1] =	sst s5  }
0xe: {  	[smem:$0x3FB2] =	sst s6  }
0xf: {  	[smem:$0x3FB3] =	sst s7  }
0x10: {  	[smem:$0x3FB4] =	sst s8  }
0x11: {  	[smem:$0x3FB5] =	sst s9;
	s0 =	simm.s32 @!p0 $0x0  }
0x12: {  	s1 =	sld [smem:$0x3F9B];
	s0 =	simm.s32 @p0 $0x1  }
0x13: {  	[smem:$0x3FB6] =	sst s0;
	s0 =	simm.s32 @!p1 $0x0  }
0x14: {  	s2 =	sld [smem:$0x3F9A];
	s0 =	simm.s32 @p1 $0x1  }
0x15: {  	[smem:$0x3FB7] =	sst s0;
	s0 =	simm.s32 @!p2 $0x0  }
0x16: {  	s3 =	sld [smem:$0x3FDB];
	s0 =	simm.s32 @p2 $0x1  }
0x17: {  	s4 =	simm.s32 $0x1BF5;
	[smem:$0x3FB9] =	sst s0  }
0x18: {  	s0 =	sld [smem:$0x3F9C];
	_ =	swait.ge [sflag:s4], $0x0  }
0x19: {  	s7 =	sld [smem:$0x3F9D]  }
0x1a: {  	s8 =	sadd.s32 $0xFFFFE003, lr  }
0x1b: {  	s9 =	sadd.s32 $0xFFFFFEF7, lr;
	s5 =	simm.s32 $0xFFFFFFFF;
	p2 =	slt.u32 s8, $0xFFFFF086  }
0x1c: {  	p1 =	slt.u32 s9, $0xF7A;
	s5 =	simm.s32 @!p2 $0x0  }
0x1d: {  	s5 =	simm.s32 @p1 $0x1;
	p0 =	seq.s32 s7, s2  }
0x1e: {  	s7 =	smul.u32 @!p0 $0xF7A, s2;
	p2 =	seq.s32 @!p0 s5, $0x0  }
0x1f: {  	s9 =	smul.u32 $0xF7A, s1;
	s8 =	simm.s32 @!p0 $0x1BF5;
	p2 =	por !p2, p0  }
0x20: {  	[sflag:s8] =	ssyncset.s32 @!p0 $0xFFFFF086;
	s6 =	sadd.s32 @!p0 s3, s7;
	s7 =	simm.s32 @!p0 $0x108  }
0x21: {  	s3 =	sadd.s32 s3, s9;
	s6 =	sadd.s32 @!p0 $0x88, s6;
	s7 =	simm.s32 @p2 $0x1082  }
0x22: {  	[simem:s7], [sflag:s8] =	dma.local @!p0 [hbm:s6], $0xF7A  }
0x23: {  	s9 =	sor.u32 $0xD0000000, s2;
	s6 =	simm.s32 $0x108;
	_ =	swait.ge @!p0 [sflag:s8], $0x0  }
0x24: {  	s3 =	sadd.s32 $0x88, s3;
	s6 =	simm.s32 @!p1 $0x1082;
	[sflag:s4] =	ssyncset.s32 $0xFFFFF086  }
0x25: {  	[simem:s6], [sflag:s4] =	dma.local [hbm:s3], $0xF7A  }
0x26: {  	[smem:$0x3F9D] =	sst s1;
	(tag) =	ssettag s2;
	_ =	strace s9  }
0x27: {  	s1 =	sld [smem:$0x3FAD]  }
0x28: {  	s2 =	sld [smem:$0x3FAE]  }
0x29: {  	s4 =	sld [smem:$0x3FB0]  }
0x2a: {  	p0 =	seq.s32 s5, $0x0;
	s5 =	sld [smem:$0x3FB1]  }
0x2b: {  	s6 =	sld [smem:$0x3FB2]  }
0x2c: {  	s7 =	sld [smem:$0x3FB3]  }
0x2d: {  	s3 =	simm.s32 $0x108;
	s8 =	sld [smem:$0x3FB4]  }
0x2e: {  	s3 =	simm.s32 @!p0 $0x1082;
	s9 =	sld [smem:$0x3FB5]  }
0x2f: {  	lr =	sadd.s32 s0, s3;
	s0 =	sld [smem:$0x3FAC]  }
0x30: {  	s3 =	sld [smem:$0x3FAF]  }
0x31: {  	[smem:$0x3FB8] =	sst s10  }
0x32: {  	s10 =	sld [smem:$0x3FB6];
	_ =	sdelay $0x3  }
0x33: {  	p0 =	seq.s32 s10, $0x1;
	s10 =	sld [smem:$0x3FB8];
	_ =	sdelay $0x3  }
0x34: {  	[smem:$0x3FB8] =	sst s10  }
0x35: {  	s10 =	sld [smem:$0x3FB7];
	_ =	sdelay $0x3  }
0x36: {  	p1 =	seq.s32 s10, $0x1;
	s10 =	sld [smem:$0x3FB8];
	_ =	sdelay $0x3  }
0x37: {  	[smem:$0x3FB8] =	sst s10  }
0x38: {  	s10 =	sld [smem:$0x3FB9]  }
0x39: {  	_ = 	snop;
	(pc) =	sbr.ind lr, $3  }
0x3a: {  	_ = 	snop  }
0x3b: {  	_ = 	snop  }
0x3c: {  	p2 =	seq.s32 s10, $0x1;
	s10 =	sld [smem:$0x3FB8]  }
0x3d: {  	_ =	shalt  }
0x3e: {  	_ =	shalt  }
0x3f: {  	_ =	shalt  }
0x40: {  	_ =	shalt  }
0x41: {  	_ =	shalt  }
0x42: {  	_ =	shalt  }
0x43: {  	_ =	shalt  }
0x44: {  	_ =	shalt  }
0x45: {  	_ =	shalt  }
0x46: {  	_ =	shalt  }
0x47: {  	_ =	shalt  }
0x48: {  	_ =	shalt  }
0x49: {  	_ =	shalt  }
0x4a: {  	_ =	shalt  }
0x4b: {  	_ =	shalt  }
0x4c: {  	_ =	shalt  }
0x4d: {  	_ =	shalt  }
0x4e: {  	_ =	shalt  }
0x4f: {  	_ =	shalt  }
0x50: {  	_ =	shalt  }
0x51: {  	_ =	shalt  }
0x52: {  	_ =	shalt  }
0x53: {  	_ =	shalt  }
0x54: {  	_ =	shalt  }
0x55: {  	_ =	shalt  }
0x56: {  	_ =	shalt  }
0x57: {  	_ =	shalt  }
0x58: {  	_ =	shalt  }
0x59: {  	_ =	shalt  }
0x5a: {  	_ =	shalt  }
0x5b: {  	_ =	shalt  }
0x5c: {  	_ =	shalt  }
0x5d: {  	_ =	shalt  }
0x5e: {  	_ =	shalt  }
0x5f: {  	_ =	shalt  }
0x60: {  	_ =	shalt  }
0x61: {  	_ =	shalt  }
0x62: {  	_ =	shalt  }
0x63: {  	_ =	shalt  }
0x64: {  	_ =	shalt  }
0x65: {  	_ =	shalt  }
0x66: {  	_ =	shalt  }
0x67: {  	_ =	shalt  }
0x68: {  	_ =	shalt  }
0x69: {  	_ =	shalt  }
0x6a: {  	_ =	shalt  }
0x6b: {  	_ =	shalt  }
0x6c: {  	_ =	shalt  }
0x6d: {  	_ =	shalt  }
0x6e: {  	_ =	shalt  }
0x6f: {  	_ =	shalt  }
0x70: {  	_ =	shalt  }
0x71: {  	_ =	shalt  }
0x72: {  	_ =	shalt  }
0x73: {  	_ =	shalt  }
0x74: {  	_ =	shalt  }
0x75: {  	_ =	shalt  }
0x76: {  	_ =	shalt  }
0x77: {  	_ =	shalt  }
0x78: {  	_ =	shalt  }
0x79: {  	_ =	shalt  }
0x7a: {  	_ =	shalt  }
0x7b: {  	_ =	shalt  }
0x7c: {  	_ =	shalt  }
0x7d: {  	_ =	shalt  }
0x7e: {  	_ =	shalt  }
0x7f: {  	_ =	shalt  }
0x80: {  	_ =	shalt  }
0x81: {  	_ =	shalt  }
0x82: {  	_ =	shalt  }
0x83: {  	_ =	shalt  }
0x84: {  	_ =	shalt  }
0x85: {  	_ =	shalt  }
0x86: {  	_ =	shalt  }
0x87: {  	_ =	shalt  }
.Lfunc_end0:
.L_simem_size_0:
called_computation_lowered:
.L_overlay_start_0:
0x88: {  	s2 =	sld [smem:$0x3FD9]  }
0x89: {  	s3 =	sld [smem:$0x3FFE];
	_ =	sdelay $0x1  }
0x8a: {  	s1 =	srdreg.scid  }
0x8b: {  	s0 =	sand.u32 $0x1, s1  }
0x8c: {  	s16 =	sshll.u32 s0, $0xA;
	s2 =	sadd.s32 s3, s2  }
0x8d: {  	s2 =	sadd.s32 s2, s16  }
0x8e: {  	[smem:$0x3FC4] =	sst s2  }
0x8f: {  	_ = 	snop  }
0x90: {  	(tm) =	ssettm $0x1  }
0x91: {  	s17 =	sld [smem:$0x3FFB];
	_ =	sdelay $0x3  }
0x92: {  	_ =	strace s17  }
0x93: {  	s2 =	sld [smem:$0x3FFC];
	_ =	sdelay $0x3  }
0x94: {  	_ =	strace s2  }
0x95: {  	s2 =	sld [smem:$0x3FFD];
	_ =	sdelay $0x3  }
0x96: {  	_ =	strace s2  }
0x97: {  	_ =	strace $0x8FFFFFFF  }
0x98: {  	s18 =	sld [smem:$0x3FDB];
	_ =	sdelay $0x1  }
0x99: {  	s19 =	simm.s32 $_scs_section_size  }
0x9a: {  	s4 =	simm.s32 $_size__tile_overlayer_lowered;
	s5 =	simm.s32 $_tile_overlayer_lowered  }
0x9b: {  	s22 =	simm.s32 $0x1BFF;
	s21 =	sshll.u32 s5, $0x1;
	s2 =	sadd.s32 s19, s18  }
0x9c: {  	s6 =	simm.s32 $0x0;
	s20 =	sshll.u32 s4, $0x1;
	s4 =	sadd.s32 s21, s2  }
0x9d: {  	[timem:s6], [sflag:s22] =	dma.local [hbm:s4], s20  }
0x9e: {  	_ =	swait.ge [sflag:s22], s20  }
0x9f: {  	s3 =	ssub.s32 $0x0, s20;
	[sflag:s22] =	ssyncset.done $0x0  }
0xa0: {  	[sflag:s22] =	ssyncadd.s32 s3;
	_ =	sdelay $0x1  }
0xa1: {  	s23 =	simm.s32 $0x1B8B  }
0xa2: {  	_ =	swait.ge [sflag:s23], $0x1  }
0xa3: {  	[sflag:s23] =	ssyncset.done $0x0  }
0xa4: {  	s25 =	simm.s32 $0x1B8E;
	s24 =	sld [smem:$0x3FFE];
	[sflag:s23] =	ssyncadd.s32 $0xFFFFFFFF  }
0xa5: {  	s26 =	simm.s32 $execute0_lowered;
	[smem:$0x3FD2] =	sst s25  }
0xa6: {  	s4 =	sshll.u32 s26, $0x1;
	_ =	strace $0x80000046;
	[dreg:$0x1] =	wrdreg $0xFFFFFFFF  }
0xa7: {  	s28 =	simm.s32 $_size_execute0_lowered;
	s2 =	sadd.s32 s2, s4;
	[dreg:$0x0] =	wrdreg $0x0  }
0xa8: {  	s4 =	sshll.u32 s28, $0x1;
	[dreg:$0x2] =	wrdreg s2  }
0xa9: {  	[dreg:$0x3] =	wrdreg s4  }
0xaa: {  	[dreg:$0x4] =	wrdreg $0xC0  }
0xab: {  	_ =	task [dreg:s6], $0x5FFFF  }
0xac: {  	[dreg:$0x1] =	wrdreg $0xFFFFFFFF  }
0xad: {  	[dreg:$0x0] =	wrdreg $0x60  }
0xae: {  	[dreg:$0x2] =	wrdreg s24  }
0xaf: {  	[dreg:$0x3] =	wrdreg $0x9  }
0xb0: {  	_ =	task.clear_ibuf [dreg:s6], $0x4FFFF;
	_ =	strace $0x90000046  }
0xb1: {  	s29 =	simm.s32 $0x9;
	_ =	strace $0x80000048  }
0xb2: {  	_ =	swait.ge [sflag:s29], $0x1  }
0xb3: {  	[sflag:s29] =	ssyncadd.s32 $0xFFFFFFFF  }
0xb4: {  	_ =	strace $0x90000048  }
0xb5: {  	_ =	sfence  }
0xb6: {  	s30 =	sld [smem:$0x0];
	_ =	sdelay $0x2  }
0xb7: {  	s31 =	sshll.u32 s1, $0xD;
	s1 =	sshrl.u32 s1, $0x2  }
0xb8: {  	s3 =	sand.u32 $0x4000, s31;
	s1 =	sadd.s32 s1, s30  }
0xb9: {  	s0 =	sor.u32 s3, s0;
	s1 =	sshll.u32 s1, $0x11  }
0xba: {  	s0 =	sor.u32 s1, s0  }
0xbb: {  	s0 =	sadd.s32 $0x8F2B, s0  }
0xbc: {  	[sflag:s0] =	ssyncadd.remote.s32 $0x1  }
0xbd: {  	_ =	sfence.sel $0xFFFF  }
0xbe: {  	[dreg:$0x0] =	wrdreg $0xFFFFFFFF;
	(pc) =	sbr.abs _section_cstart, $3  }
0xbf: {  	[dreg:$0x1] =	wrdreg $0xFFFFFFFF  }
0xc0: {  	_ =	task.clear_ibuf [dreg:s6], $0x2FFFF;
	_ =	strace $0x9FFFFFFF  }
0xc1: {  	(tm) =	ssettm $0x7FFFFFFF  }
tec
execute0_lowered:
.L_overlay_start_1:
0x0: {  	(tag) =	ssettag $0x1  }
0x1: {  	s3 =	rddreg [dreg:$0x0];
	s2 =	srdreg.scid  }
0x2: {  	s0 =	rddreg [dreg:$0x1];
	s1 =	stileid.u32  }
0x3: {  	s8 =	simm.s32 $0x400;
	s9 =	simm.s32 $0x800;
	s10 =	simm.s32 $0x1  }
0x4: {  	s11 =	simm.s32 $0xC00;
	s12 =	simm.s32 $0x2;
	s13 =	simm.s32 $0x0  }
0x5: {  	s4 =	sand.u32 $0x1, s2;
	s2 =	simm.s32 $0x0;
	s5 =	sshll.u32 s1, $0x8  }
0x6: {  	s6 =	sshll.u32 s4, $0x7;
	[smem:$0x7FF] =	sst s2;
	s4 =	ssub.s32 $0x2, s4  }
0x7: {  	s5 =	sor.u32 s6, s5;
	_ =	strace $0x80000047;
	s31 =	sshrl.u32 s4, $0x1  }
0x8: {  	s6 =	sshrl.u32 s5, $0x3;
	s5 =	sadd.s32 s5, s3;
	s7 =	ssub.s32 s4, s31  }
0x9: {  	s6 =	sadd.s32 s6, s3;
	s3 =	sadd.s32 $0x2E00, s5;
	s4 =	sadd.s32 $0xE00, s5  }
0xa: {  	s5 =	sadd.s32 $0x4E00, s5;
	s7 =	smax.u32 s7, $0x1;
	s6 =	sadd.s32 $0x6E00, s6  }
.LBB2_1:
0xb: {  	[tilespmem:s2], [sflag:$0x1] =	stream.linear.gather [hbm4b:s3+s2], $0x400, $0x38;
	[tilespmem:$0xC80] =	vst v63  }
0xc: {  	_ = 	snop  }
0xd: {  	[tilespmem:s8], [sflag:$0x1] =	stream.linear.gather [hbm4b:s4+s2], $0x400, $0x38;
	[tilespmem:$0xC80] =	vst v63  }
0xe: {  	_ = 	snop  }
0xf: {  	[tilespmem:s9], [sflag:$0x1] =	stream.linear.gather [hbm4b:s5+s2], $0x400, $0x38;
	[tilespmem:$0xC80] =	vst v63  }
0x10: {  	_ =	swait.ge [sflag:s10], $0x400  }
0x11: {  	[sflag:s10] =	ssyncset.done $0x0  }
0x12: {  	[sflag:s10] =	ssyncadd.s32 $0xFFFFFC00  }
0x13: {  	_ =	swait.ge [sflag:s10], $0x400  }
0x14: {  	[sflag:s10] =	ssyncset.done $0x0  }
0x15: {  	[sflag:s10] =	ssyncadd.s32 $0xFFFFFC00  }
0x16: {  	_ =	swait.ge [sflag:s10], $0x400  }
0x17: {  	[sflag:s10] =	ssyncset.done $0x0  }
0x18: {  	s14 =	simm.s32 $0x0;
	[sflag:s10] =	ssyncadd.s32 $0xFFFFFC00  }
0x19: {  	v7 =	vld [tilespmem:s14+$0x810]  }
0x1a: {  	v16 =	vld [tilespmem:s14+$0x410]  }
0x1b: {  	v1 =	vld [tilespmem:s14+$0x830]  }
0x1c: {  	v2 =	vld [tilespmem:s14+$0x430]  }
0x1d: {  	v9 =	vld [tilespmem:s14+$0x420]  }
0x1e: {  	v18 =	vld [tilespmem:s14+$0x400]  }
0x1f: {  	v6 =	vld [tilespmem:s14+$0x820]  }
0x20: {  	v0 =	vld [tilespmem:s14+$0x30]  }
0x21: {  	v15 =	vld [tilespmem:s14+$0x800]  }
0x22: {  	v5 =	vld [tilespmem:s14+$0x20]  }
0x23: {  	v19 =	vld [tilespmem:s14+$0x10]  }
0x24: {  	v13 =	vld [tilespmem:s14+$0x0];
	_ =	sdelay $0x1  }
0x25: {  	v10 =	vimm.f32 $0.0e+00;
	v3 =	vmul.f32 v1, v2;
	v4 =	vmul.f32 v6, v9  }
0x26: {  	v22 =	vmul.f32 v1, v0;
	v11 =	vadd.f32 $9.999999930e-09, v0;
	v8 =	vmul.f32 v15, v18  }
0x27: {  	v14 =	vadd.f32 v15, v10;
	v12 =	vmul.f32 v7, v16;
	v23 =	vadd.f32 $9.999999930e-09, v5  }
0x28: {  	v20 =	vadd.f32 $9.999999930e-09, v19;
	v25 =	vmul.f32 v6, v5;
	v27 =	vadd.f32 $9.999999930e-09, v13  }
0x29: {  	v2 =	vmul.f32 v3, v2;
	v17 =	vand.u32 $0x7FFFFF, v11;
	v24 =	vshra.s32 v11, $0x17  }
0x2a: {  	v9 =	vmul.f32 v4, v9;
	v21 =	vand.u32 $0x7FFFFF, v23;
	v26 =	vand.u32 $0x7FFFFF, v20  }
0x2b: {  	v11 =	vmul.f32 v22, v0;
	v30 =	vshra.s32 v27, $0x17;
	v17 =	vor.u32 $0x3F800000, v17  }
0x2c: {  	v32 =	vshra.s32 v20, $0x17;
	v27 =	vand.u32 $0x7FFFFF, v27;
	v28 =	vadd.f32 $-1.000000000e+00, v17  }
0x2d: {  	v20 =	vmul.f32 v12, v16;
	v23 =	vshra.s32 v23, $0x17;
	v17 =	vor.u32 $0x3F800000, v26  }
0x2e: {  	v29 =	vadd.f32 $-1.000000000e+00, v17;
	v17 =	vor.u32 $0x3F800000, v21;
	v21 =	vmul.f32 $3.044900480e-02, v28  }
0x2f: {  	v18 =	vmul.f32 v8, v18;
	v34 =	vadd.s32 $0xFFFFFF81, v23;
	v23 =	vadd.s32 $0xFFFFFF81, v24  }
0x30: {  	v26 =	vmul.f32 v15, v13;
	v31 =	vmul.f32 $3.044900480e-02, v29;
	v21 =	vadd.f32 $-1.315818280e-01, v21  }
0x31: {  	v30 =	vadd.s32 $0xFFFFFF81, v30;
	v15 =	vmul.f32 v12, v19;
	v36 =	vcvt.s32.f32 v23  }
0x32: {  	v23 =	vcvt.s32.f32 v30;
	v16 =	vadd.f32 $-1.315818280e-01, v31;
	v31 =	vmul.f32 v21, v28  }
0x33: {  	v33 =	vmul.f32 v26, v13;
	v17 =	vadd.f32 $-1.000000000e+00, v17;
	v21 =	vor.u32 $0x3F800000, v27  }
0x34: {  	v21 =	vadd.f32 $-1.000000000e+00, v21;
	v16 =	vmul.f32 v16, v29;
	v31 =	vadd.f32 $2.852726880e-01, v31  }
0x35: {  	v26 =	vadd.f32 v26, v10;
	v60 =	vmul.f32 $3.044900480e-02, v17;
	v27 =	vadd.s32 $0xFFFFFF81, v32  }
0x36: {  	v35 =	vmul.f32 $3.044900480e-02, v21;
	v16 =	vadd.f32 $2.852726880e-01, v16;
	v31 =	vmul.f32 v31, v28  }
0x37: {  	v36 =	vmul.f32 $6.931471820e-01, v36;
	v32 =	vadd.f32 $-1.315818280e-01, v60;
	v27 =	vcvt.s32.f32 v27  }
0x38: {  	v16 =	vmul.f32 v16, v29;
	v30 =	vadd.f32 $-4.902307090e-01, v31;
	v31 =	vadd.f32 $-1.315818280e-01, v35  }
0x39: {  	v24 =	vmul.f32 $6.931471820e-01, v27;
	v27 =	vadd.f32 v18, v10;
	v18 =	vmul.f32 v7, v19  }
0x3a: {  	v16 =	vadd.f32 $-4.902307090e-01, v16;
	v31 =	vmul.f32 v31, v21;
	v30 =	vmul.f32 v30, v28  }
0x3b: {  	v32 =	vmul.f32 v32, v17;
	v61 =	vadd.f32 v18, v26;
	v26 =	vmul.f32 v18, v19  }
0x3c: {  	v16 =	vmul.f32 v16, v29;
	v18 =	vadd.f32 $2.852726880e-01, v31;
	v19 =	vadd.f32 $9.992355100e-01, v30  }
0x3d: {  	v30 =	vadd.f32 $2.852726880e-01, v32;
	v31 =	vadd.f32 v25, v61;
	v25 =	vmul.f32 v25, v5  }
0x3e: {  	v62 =	vadd.f32 $9.992355100e-01, v16;
	v18 =	vmul.f32 v18, v21;
	v19 =	vmul.f32 v19, v28  }
0x3f: {  	v63 =	vmul.f32 v30, v17;
	v16 =	vadd.f32 v22, v31;
	v30 =	vadd.f32 v8, v10  }
0x40: {  	v28 =	vcvt.s32.f32 v34;
	v18 =	vadd.f32 $-4.902307090e-01, v18;
	v19 =	vadd.f32 $9.975032300e-06, v19  }
0x41: {  	v31 =	vmul.f32 v62, v29;
	v29 =	vadd.f32 v33, v10;
	v22 =	vadd.f32 $-4.902307090e-01, v63  }
0x42: {  	s14 =	simm.s32 $0x100;
	v32 =	vmul.f32 v18, v21;
	v19 =	vadd.f32 v19, v36;
	v18 =	vimm.f32 $0.0e+00  }
.LBB2_2:
0x43: {  	s15 =	sshra.s32 s14, $0x2;
	p0 =	sne.s32 s14, $0xF00;
	s14 =	sadd.s32 $0x100, s14;
	v31 =	vadd.f32 $9.975032300e-06, v31;
	v20 =	vadd.f32 v20, v27;
	v27 =	vmul.f32 $6.931471820e-01, v28  }
0x44: {  	v30 =	vadd.f32 v12, v30;
	v28 =	vld [tilespmem:s15+$0x810];
	v32 =	vadd.f32 $9.992355100e-01, v32;
	v33 =	vmul.f32 v19, v3  }
0x45: {  	v13 =	vmul.f32 v8, v13;
	v14 =	vadd.f32 v7, v14;
	v34 =	vld [tilespmem:s15+$0x410];
	v19 =	vadd.f32 v31, v24  }
0x46: {  	v24 =	vld [tilespmem:s15+$0x830];
	v31 =	vmul.f32 v32, v21;
	v21 =	vadd.f32 v26, v29;
	v26 =	vadd.f32 v4, v30  }
0x47: {  	v10 =	vadd.f32 v13, v10;
	v13 =	vmul.f32 v22, v17;
	v29 =	vld [tilespmem:s15+$0x430];
	v12 =	vmul.f32 v19, v12  }
0x48: {  	v22 =	vmul.f32 $6.931471820e-01, v23;
	v30 =	vld [tilespmem:s15+$0x420];
	v19 =	vadd.f32 $9.975032300e-06, v31;
	v21 =	vadd.f32 v25, v21  }
0x49: {  	v5 =	vmul.f32 v4, v5;
	v10 =	vadd.f32 v15, v10;
	v13 =	vadd.f32 $9.992355100e-01, v13;
	v23 =	vld [tilespmem:s15+$0x400];
	v7 =	vmovc v28  }
0x4a: {  	v15 =	vld [tilespmem:s15+$0x820];
	v25 =	vadd.f32 v19, v22;
	v19 =	vadd.f32 v11, v21;
	v11 =	vmul.f32 v3, v0  }
0x4b: {  	v13 =	vmul.f32 v13, v17;
	v10 =	vadd.f32 v5, v10;
	v22 =	vadd.f32 v3, v26;
	v0 =	vld [tilespmem:s15+$0x30]  }
0x4c: {  	v6 =	vadd.f32 v6, v14;
	v9 =	vadd.f32 v9, v20;
	v17 =	vld [tilespmem:s15+$0x800];
	v8 =	vmul.f32 v25, v8  }
0x4d: {  	v14 =	vadd.f32 $9.975032300e-06, v13;
	v3 =	vmul.f32 v24, v29;
	v10 =	vadd.f32 v11, v10;
	v5 =	vld [tilespmem:s15+$0x20]  }
0x4e: {  	v25 =	vadd.f32 v2, v9;
	v13 =	vld [tilespmem:s15+$0x0];
	v11 =	vadd.f32 v8, v18  }
0x4f: {  	v9 =	vadd.f32 v14, v27;
	v14 =	vadd.f32 v1, v6;
	v1 =	vmovc v24;
	v2 =	vmul.f32 v3, v29;
	v26 =	vld [tilespmem:s15+$0x10]  }
0x50: {  	v18 =	vmul.f32 v15, v30;
	v6 =	vmovc v15;
	v28 =	vmul.f32 v1, v0;
	v20 =	vadd.f32 $9.999999930e-09, v0  }
0x51: {  	v11 =	vadd.f32 v12, v11;
	v8 =	vmul.f32 v17, v23;
	v14 =	vadd.f32 v17, v14  }
0x52: {  	v15 =	vmul.f32 v9, v4;
	v12 =	vmul.f32 v7, v34;
	v4 =	vmovc v18;
	v24 =	vshra.s32 v20, $0x17  }
0x53: {  	v27 =	vadd.f32 $9.999999930e-09, v5;
	v9 =	vmul.f32 v4, v30;
	v18 =	vand.u32 $0x7FFFFF, v20  }
0x54: {  	v21 =	vadd.f32 v15, v11;
	v18 =	vor.u32 $0x3F800000, v18;
	v20 =	vadd.f32 $9.999999930e-09, v26  }
0x55: {  	v29 =	vmul.f32 v6, v5;
	v11 =	vmul.f32 v28, v0;
	v30 =	vand.u32 $0x7FFFFF, v27  }
0x56: {  	v31 =	vmul.f32 v17, v13;
	v32 =	vadd.f32 $-1.000000000e+00, v18;
	v15 =	vand.u32 $0x7FFFFF, v20  }
0x57: {  	v30 =	vor.u32 $0x3F800000, v30;
	v17 =	vor.u32 $0x3F800000, v15;
	v15 =	vmul.f32 v12, v26  }
0x58: {  	v35 =	vadd.f32 $9.999999930e-09, v13;
	v36 =	vadd.f32 $-1.000000000e+00, v17;
	v17 =	vmul.f32 $3.044900480e-02, v32  }
0x59: {  	v18 =	vadd.f32 v33, v21;
	v37 =	vmul.f32 v31, v13;
	v38 =	vshra.s32 v20, $0x17  }
0x5a: {  	v20 =	vshra.s32 v35, $0x17;
	v21 =	vmul.f32 $3.044900480e-02, v36;
	v33 =	vadd.f32 $-1.315818280e-01, v17  }
0x5b: {  	v35 =	vand.u32 $0x7FFFFF, v35;
	v39 =	vadd.s32 $0xFFFFFF81, v20;
	v20 =	vmul.f32 v12, v34  }
0x5c: {  	v17 =	vadd.f32 $-1.000000000e+00, v30;
	v34 =	vadd.f32 $-1.315818280e-01, v21;
	v30 =	vmul.f32 v33, v32  }
0x5d: {  	v21 =	vor.u32 $0x3F800000, v35;
	v33 =	vmul.f32 v8, v23;
	v23 =	vadd.s32 $0xFFFFFF81, v38  }
0x5e: {  	v21 =	vadd.f32 $-1.000000000e+00, v21;
	v34 =	vmul.f32 v34, v36;
	v30 =	vadd.f32 $2.852726880e-01, v30  }
0x5f: {  	v35 =	vcvt.s32.f32 v23;
	v23 =	vshra.s32 v27, $0x17;
	v27 =	vmul.f32 $3.044900480e-02, v17  }
0x60: {  	v38 =	vadd.s32 $0xFFFFFF81, v23;
	v23 =	vadd.s32 $0xFFFFFF81, v24;
	v30 =	vmul.f32 v30, v32  }
0x61: {  	v40 =	vmul.f32 $3.044900480e-02, v21;
	v41 =	vcvt.s32.f32 v23;
	v34 =	vadd.f32 $2.852726880e-01, v34  }
0x62: {  	v23 =	vcvt.s32.f32 v39;
	v24 =	vmul.f32 $6.931471820e-01, v35;
	v30 =	vadd.f32 $-4.902307090e-01, v30  }
0x63: {  	v39 =	vadd.f32 $-1.315818280e-01, v27;
	v35 =	vadd.f32 $-1.315818280e-01, v40;
	v34 =	vmul.f32 v34, v36  }
0x64: {  	v16 =	vadd.f32 v31, v16;
	v27 =	vadd.f32 v33, v25;
	v25 =	vmul.f32 v7, v26  }
0x65: {  	v31 =	vmul.f32 v35, v21;
	v33 =	vadd.f32 $-4.902307090e-01, v34;
	v30 =	vmul.f32 v30, v32  }
0x66: {  	v16 =	vadd.f32 v25, v16;
	v26 =	vmul.f32 v25, v26;
	v25 =	vmul.f32 v39, v17  }
0x67: {  	v31 =	vadd.f32 $2.852726880e-01, v31;
	v33 =	vmul.f32 v33, v36;
	v30 =	vadd.f32 $9.992355100e-01, v30  }
0x68: {  	v16 =	vadd.f32 v29, v16;
	v34 =	vadd.f32 $2.852726880e-01, v25;
	v25 =	vmul.f32 v29, v5  }
.Ltmp0:
0x69: {  	v29 =	vmul.f32 v31, v21;
	v31 =	vadd.f32 $9.992355100e-01, v33;
	v30 =	vmul.f32 v30, v32;
	(pc) =	sbr.rel @p0 .LBB2_2-.Ltmp0, $4  }
0x6a: {  	v16 =	vadd.f32 v28, v16;
	v32 =	vmul.f32 v34, v17;
	v33 =	vmul.f32 $6.931471820e-01, v41  }
0x6b: {  	v28 =	vcvt.s32.f32 v38;
	v29 =	vadd.f32 $-4.902307090e-01, v29;
	v34 =	vadd.f32 $9.975032300e-06, v30  }
0x6c: {  	v30 =	vadd.f32 v8, v22;
	v31 =	vmul.f32 v31, v36;
	v22 =	vadd.f32 $-4.902307090e-01, v32  }
0x6d: {  	v32 =	vmul.f32 v29, v21;
	v29 =	vadd.f32 v37, v19;
	v19 =	vadd.f32 v34, v33  }
0x6e: {  	_ = 	snop  }
0x6f: {  	v32 =	vadd.f32 $9.992355100e-01, v32;
	_ =	sdelay $0x1  }
0x70: {  	v31 =	vadd.f32 $9.975032300e-06, v31;
	v22 =	vmul.f32 v22, v17;
	v21 =	vmul.f32 v32, v21  }
0x71: {  	v20 =	vadd.f32 v20, v27;
	v50 =	vadd.f32 v12, v30  }
0x72: {  	v23 =	vmul.f32 $6.931471820e-01, v23;
	v22 =	vadd.f32 $9.992355100e-01, v22;
	v21 =	vadd.f32 $9.975032300e-06, v21  }
0x73: {  	v13 =	vmul.f32 v8, v13;
	v7 =	vadd.f32 v7, v14;
	v51 =	vadd.f32 v26, v29  }
0x74: {  	v24 =	vadd.f32 v31, v24;
	v52 =	vmul.f32 v22, v17;
	v21 =	vadd.f32 v21, v23  }
0x75: {  	v55 =	vmul.f32 $6.931471820e-01, v28;
	v53 =	vadd.f32 v4, v50;
	v10 =	vadd.f32 v13, v10  }
0x76: {  	v6 =	vadd.f32 v6, v7;
	v56 =	vadd.f32 $9.975032300e-06, v52;
	v54 =	vmul.f32 v21, v8  }
0x77: {  	v9 =	vadd.f32 v9, v20;
	v14 =	vadd.f32 v25, v51  }
0x78: {  	v57 =	vmul.f32 v24, v12;
	v7 =	vadd.f32 v56, v55;
	v8 =	vadd.f32 v54, v18  }
0x79: {  	v5 =	vmul.f32 v4, v5;
	v1 =	vadd.f32 v1, v6;
	v58 =	vadd.f32 v15, v10  }
0x7a: {  	[tilespmem:$0xC10] =	vst v16;
	v59 =	vadd.f32 v3, v53;
	v60 =	vmul.f32 v7, v4;
	v8 =	vadd.f32 v57, v8  }
0x7b: {  	v0 =	vmul.f32 v3, v0;
	v2 =	vadd.f32 v2, v9;
	[tilespmem:$0xC00] =	vst v1;
	v5 =	vadd.f32 v5, v58  }
0x7c: {  	v62 =	vmul.f32 v19, v3;
	v61 =	vadd.f32 v11, v14;
	[tilespmem:$0xC20] =	vst v59;
	v4 =	vadd.f32 v60, v8  }
0x7d: {  	[tilespmem:$0xC40] =	vst v2;
	v0 =	vadd.f32 v0, v5  }
0x7e: {  	s13 =	sadd.s32 $0x1, s13;
	[tilespmem:$0xC30] =	vst v61;
	v63 =	vadd.f32 v62, v4  }
0x7f: {  	p0 =	sne.s32 s13, s7;
	[tilespmem:$0xC50] =	vst v0  }
.Ltmp1:
0x80: {  	[tilespmem:$0xC60] =	vst v63;
	(pc) =	sbr.rel @p0 .LBB2_1-.Ltmp1, $4  }
0x81: {  	[hbm4b:s6+s2] =	stream.linear.scatter [tilespmem:s11], [sflag:$0x2], $0x80, $0x38;
	[tilespmem:$0xC80] =	vst v63  }
0x82: {  	_ =	swait.ge [sflag:s12], $0x80  }
0x83: {  	[sflag:s12] =	ssyncset.done $0x0  }
0x84: {  	[sflag:s12] =	ssyncadd.s32 $0xFFFFFF80  }
0x85: {  	_ =	sfence.sel $0x180000  }
0x86: {  	[bflag:$0x0] =	sbarrier.arrive $0xFFFF  }
0x87: {  	p0 =	sne.s32 s1, $0x0;
	_ =	strace $0x90000047  }
0x88: {  	s0 =	sadd.s32 @!p0 $0x100000, s0;
	[bflag:$0x2] =	sbarrier.arrive $0xFFFF  }
0x89: {  	[sflag:s0] =	ssyncadd.tile.s32 @!p0 $0x1;
	_ =	shalt  }
.Lfunc_end2:
_tile_overlayer_lowered:
.L_overlay_start_2:
0x8a: {  	(tag) =	ssettag $0x2  }
0x8b: {  	s0 =	rddreg [dreg:$0x0];
	s2 =	stileid.u32  }
0x8c: {  	s1 =	rddreg [dreg:$0x1];
	p0 =	sne.s32 s2, $0x0  }
0x8d: {  	s3 =	rddreg [dreg:$0x2];
	[bflag:$0x3] =	sbarrier.arrive $0xFFFF;
	s2 =	simm.s32 @!p0 $0x1C02  }
0x8e: {  	[timem:s3], [sflag:s2] =	dma.local @!p0 [hbm:s0], s1  }
0x8f: {  	s0 =	simm.s32 @!p0 $0x2  }
0x90: {  	_ =	swait.ge @!p0 [sflag:s0], s1  }
0x91: {  	s1 =	ssub.s32 @!p0 $0x0, s1;
	[sflag:s0] =	ssyncset.done @!p0 $0x0  }
0x92: {  	[sflag:s0] =	ssyncadd.s32 @!p0 s1  }
0x93: {  	[bflag:$0x3] =	sbarrier.arrive $0xFFFF  }
0x94: {  	_ =	shalt  }

</sc_bundles>
